<compile_context>
chip_gen: v7x
topology: tpu7x:2x2x1
jax: 0.10.2.dev20260603
libtpu: 0.0.44.dev20260713+nightly
codegen_flags: <defaults>
</compile_context>

<pallas_src>
import functools

import jax
import jax.numpy as jnp
from jax import lax
from jax.experimental import pallas as pl
from jax.experimental.pallas import tpu as pltpu
from jax.experimental.pallas import tpu_sc as plsc

_VOCAB = 9487
_L = 16
_ND = 14
_VPT = 42
_CHUNK = _VPT * _L
_DENSE = _ND * _CHUNK
_TAILV = 5
_ROWPAD = _DENSE + _TAILV * _L
_NTGT = 80
_NPART = _ND + 3

_LOG_COEFFS = (
    7.0376836292e-2, -1.1514610310e-1, 1.1676998740e-1, -1.2420140846e-1,
    1.4249322787e-1, -1.6668057665e-1, 2.0000714765e-1, -2.4999993993e-1,
    3.3333331174e-1,
)
_LN2 = 0.6931471805599453


def _vlog(x):
    bits = lax.bitcast_convert_type(x, jnp.int32)
    e = (bits >> 23) - 126
    m_bits = (bits & 0x007FFFFF) | 0x3F000000
    m = lax.bitcast_convert_type(m_bits, jnp.float32)
    ef = e.astype(jnp.float32)
    adj = m < jnp.float32(0.70710678)
    ef = jnp.where(adj, ef - 1.0, ef)
    t = jnp.where(adj, m + m - 1.0, m - 1.0)
    z = t * t
    p = jnp.float32(_LOG_COEFFS[0])
    for c in _LOG_COEFFS[1:]:
        p = p * t + jnp.float32(c)
    y = p * t * z - 0.5 * z
    return t + y + ef * jnp.float32(_LN2)


def _neg_term(x):
    return _vlog(1.0 - x + 1e-15)


def _mil_body(x_hbm, tgt_hbm, out_hbm, xc_v, xf_v, tgt_v, ids_v, stage_v,
              pack_v, gath_v, shared_v, row_sem):
    wid = lax.axis_index("s")
    zeros = jnp.zeros((_L,), jnp.float32)
    lane = lax.iota(jnp.int32, _L)

    @pl.when(wid < _ND)
    def _dense():
        pltpu.sync_copy(x_hbm.at[pl.ds(wid * _CHUNK, _CHUNK)], xc_v)

        def body(j, acc):
            return acc + _neg_term(xc_v[pl.ds(j * _L, _L)])

        stage_v[...] = lax.fori_loop(0, _VPT, body, zeros)
        pltpu.sync_copy(stage_v, shared_v.at[pl.ds(wid * _L, _L)])

    @pl.when(wid == _ND)
    def _sparse():
        xf_v[pl.ds(_ROWPAD - _L, _L)] = zeros
        row_dma = pltpu.make_async_copy(x_hbm, xf_v.at[pl.ds(0, _VOCAB)],
                                        row_sem)
        row_dma.start()
        pltpu.sync_copy(tgt_hbm, tgt_v)
        def scat(j, c):
            idx = tgt_v[pl.ds(j * _L, _L)]
            plsc.store_scatter(ids_v, [idx], j * _L + lane)
            return c

        lax.fori_loop(0, _NTGT // _L, scat, 0)
        row_dma.wait()

        def corr(j, carry):
            pos, bcor, cnt = carry
            occ = j * _L + lane
            idx = tgt_v[pl.ds(j * _L, _L)]
            rep = plsc.load_gather(ids_v, [idx])
            p = plsc.load_gather(xf_v, [idx])
            m = jnp.where((rep == occ) & (idx > 0), jnp.float32(1.0),
                          jnp.float32(0.0))
            return (pos + _vlog(p + 1e-30) * m, bcor + _neg_term(p) * m,
                    cnt + m)

        pos, bcor, cnt = lax.fori_loop(0, _NTGT // _L, corr,
                                       (zeros, zeros, zeros))
        bcor = bcor + jnp.where(lane == 0, _neg_term(xf_v[pl.ds(0, _L)]), 0.0)
        tail = lax.fori_loop(
            0, _TAILV,
            lambda j, acc: acc + _neg_term(xf_v[pl.ds(_DENSE + j * _L, _L)]),
            zeros)
        pack_v[pl.ds(0, _L)] = pos
        pack_v[pl.ds(_L, _L)] = bcor
        pack_v[pl.ds(2 * _L, _L)] = cnt
        pack_v[pl.ds(3 * _L, _L)] = tail
        pltpu.sync_copy(pack_v, shared_v.at[pl.ds(_ND * _L, 4 * _L)])

    plsc.subcore_barrier()

    @pl.when(wid == 0)
    def _finalize():
        pltpu.sync_copy(shared_v, gath_v)
        neg = lax.fori_loop(
            0, _ND, lambda t, acc: acc + gath_v[pl.ds(t * _L, _L)], zeros)
        neg = neg + gath_v[pl.ds((_ND + 3) * _L, _L)]
        pos_s = jnp.full((_L,), jnp.sum(gath_v[pl.ds(_ND * _L, _L)]))
        bcor_s = jnp.full((_L,), jnp.sum(gath_v[pl.ds((_ND + 1) * _L, _L)]))
        cnt_s = jnp.full((_L,), jnp.sum(gath_v[pl.ds((_ND + 2) * _L, _L)]))
        neg_s = jnp.full((_L,), jnp.sum(neg))
        loss = (-pos_s / cnt_s
                - (neg_s - bcor_s) / (jnp.float32(_VOCAB - 1) - cnt_s))
        stage_v[...] = loss
        pltpu.sync_copy(stage_v.at[pl.ds(0, 1)], out_hbm)


_mil_kernel = functools.partial(
    pl.kernel,
    out_type=jax.ShapeDtypeStruct((1,), jnp.float32),
    mesh=plsc.VectorSubcoreMesh(core_axis_name="c", subcore_axis_name="s",
                                num_cores=1),
    compiler_params=pltpu.CompilerParams(needs_layout_passes=False),
    scratch_types=[
        pltpu.VMEM((_CHUNK,), jnp.float32),
        pltpu.VMEM((_ROWPAD,), jnp.float32),
        pltpu.VMEM((_NTGT,), jnp.int32),
        pltpu.VMEM((_VOCAB,), jnp.int32),
        pltpu.VMEM((_L,), jnp.float32),
        pltpu.VMEM((4 * _L,), jnp.float32),
        pltpu.VMEM(((_NPART + 1) * _L,), jnp.float32),
        pltpu.VMEM_SHARED(((_NPART + 1) * _L,), jnp.float32),
        pltpu.SemaphoreType.DMA,
    ],
)(_mil_body)


def kernel(input, target):
    out = _mil_kernel(input.reshape(-1), target.reshape(-1))
    return out.reshape(())

# --- scband reference (transcript-rebuilt; emitter-appended) ---
"""Pipeline reference for scband-mil-crit-22806276342326 (READ-ONLY COPY).

The authoritative reference and input builder live on the scoring server;
editing this copy changes nothing except your own understanding.
"""

import jax, jax.numpy as jnp
import numpy as np

VOCAB = 9487

def setup_inputs(seed: int = 0) -> dict:
    key = jax.random.key(seed)
    k1, k2 = jax.random.split(key)
    inp = jax.random.uniform(k1, (1, VOCAB), dtype=jnp.float32)
    target = jax.random.randint(k2, (5, 16), 0, VOCAB, dtype=jnp.int32)
    return {"input": inp, "target": target}

def reference(input, target):
    # MIL criterion: positive words = unique words appearing in target captions,
    # negative words = all other vocab words; word id 0 masked out of both.
    vocab = input.shape[1]
    present = jnp.zeros((vocab,), dtype=bool).at[target.reshape(-1)].set(True)
    ids = jnp.arange(vocab)
    mask_pos = (present & (ids > 0)).astype(jnp.float32)
    mask_neg = ((~present) & (ids > 0)).astype(jnp.float32)
    # original gathers along dim 1 with a [1, P] index tensor, i.e. reads row 0
    row = input[0]
    log_pos = -jnp.sum(jnp.log(row + 1e-30) * mask_pos)
    log_neg = -jnp.sum(jnp.log(1.0 - row + 1e-15) * mask_neg)
    out = log_pos / jnp.sum(mask_pos) + log_neg / jnp.sum(mask_neg)
    return out

if __name__ == "__main__":
    import jax
    _d = setup_inputs()
    print(jax.jit(kernel)(*tuple(_d.values())))

</pallas_src>

<mosaic_0001>
#map = affine_map<(d0, d1) -> (0)>
module attributes {stable_mosaic.version = 14 : i64} {
  func.func @_mil_body(%arg0: i32, %arg1: i32, %arg2: memref<9487xf32, #tpu.memory_space<hbm>>, %arg3: memref<80xi32, #tpu.memory_space<hbm>>, %arg4: memref<1xf32, #tpu.memory_space<hbm>>, %arg5: memref<672xf32, #tpu.memory_space<vmem>>, %arg6: memref<9488xf32, #tpu.memory_space<vmem>>, %arg7: memref<80xi32, #tpu.memory_space<vmem>>, %arg8: memref<9487xi32, #tpu.memory_space<vmem>>, %arg9: memref<16xf32, #tpu.memory_space<vmem>>, %arg10: memref<64xf32, #tpu.memory_space<vmem>>, %arg11: memref<288xf32, #tpu.memory_space<vmem>>, %arg12: memref<288xf32, #tpu.memory_space<vmem_shared>>, %arg13: memref<!tpu.dma_semaphore, #tpu.memory_space<semaphore_mem>>) attributes {dimension_semantics = [#tpu.dimension_semantics<core_parallel>, #tpu.dimension_semantics<subcore_parallel>], iteration_bounds = array<i64: 1, 16>, scalar_prefetch = 0 : i64, scratch_operands = 9 : i64, tpu.core_type = #tpu.core_type<sc_vector_subcore>, window_params = [{transform_indices = #map}, {transform_indices = #map}, {transform_indices = #map}]} {
    %broadcast_in_dim3A = arith.constant 0.000000e+00 : f32
    %broadcast_in_dim3A_0 = vector.broadcast %broadcast_in_dim3A : f32 to vector<16xf32>
    %iota3A = tpu.iota {dimensions = array<i32: 0>} : vector<16xi32>
    %lt3A = arith.constant 14 : i32
    %lt3A_1 = arith.cmpi slt, %arg1, %lt3A : i32
    %convert_element_type3A = arith.extui %lt3A_1 : i1 to i32
    %cond3A = arith.constant 0 : i32
    %cond3A_2 = arith.cmpi ne, %convert_element_type3A, %cond3A : i32
    scf.if %cond3A_2 {
      %mul3A = arith.constant 672 : i32
      %mul3A_12 = arith.muli %arg1, %mul3A : i32
      "tpu.region"() ({
        %run_scoped3A = tpu.sem_alloc : memref<!tpu.dma_semaphore, #tpu.memory_space<semaphore_mem>>
        %dma_start3A = tpu.memref_slice %arg2[%mul3A_12] : memref<9487xf32, #tpu.memory_space<hbm>> -> memref<672xf32, #tpu.memory_space<hbm>>
        %dma_start3A_21 = tpu.memref_slice %arg2[%mul3A_12] : memref<9487xf32, #tpu.memory_space<hbm>> -> memref<672xf32, #tpu.memory_space<hbm>>
        tpu.enqueue_dma source(%dma_start3A_21 : memref<672xf32, #tpu.memory_space<hbm>>) target(%arg5 : memref<672xf32, #tpu.memory_space<vmem>>) target_semaphore(%run_scoped3A : memref<!tpu.dma_semaphore, #tpu.memory_space<semaphore_mem>>)
        %dma_wait3A = tpu.memref_slice %arg2[%mul3A_12] : memref<9487xf32, #tpu.memory_space<hbm>> -> memref<672xf32, #tpu.memory_space<hbm>>
        %dma_wait3A_22 = tpu.memref_slice %arg2[%mul3A_12] : memref<9487xf32, #tpu.memory_space<hbm>> -> memref<672xf32, #tpu.memory_space<hbm>>
        tpu.wait_dma2 semaphore(%run_scoped3A : memref<!tpu.dma_semaphore, #tpu.memory_space<semaphore_mem>>) src(%dma_wait3A_22 : memref<672xf32, #tpu.memory_space<hbm>>) dst(%arg5 : memref<672xf32, #tpu.memory_space<vmem>>)
        tpu.yield
      }) : () -> ()
      %scan3A = arith.constant 0 : i32
      %scan3A_13 = arith.constant 42 : i32
      %scan3A_14 = arith.addi %scan3A, %scan3A_13 : i32
      %scan3A_15 = arith.constant 1 : i32
      %scan3A_16 = scf.for %scan3A_21 = %scan3A to %scan3A_14 step %scan3A_15 iter_args(%scan3A_22 = %broadcast_in_dim3A_0) -> (vector<16xf32>)  : i32 {
        %mul3A_23 = arith.constant 16 : i32
        %mul3A_24 = arith.muli %scan3A_21, %mul3A_23 : i32
        %get3A = arith.index_cast %mul3A_24 : i32 to index
        %get3A_25 = tpu.vector_load %arg5[%get3A] {strides = array<i32>} : memref<672xf32, #tpu.memory_space<vmem>>, vector<16xf32>,
        %sub3A = arith.constant 1.000000e+00 : f32
        %sub3A_26 = vector.broadcast %sub3A : f32 to vector<16xf32>
        %sub3A_27 = arith.subf %sub3A_26, %get3A_25 : vector<16xf32>
        %add3A = arith.constant 1.000000e-15 : f32
        %add3A_28 = vector.broadcast %add3A : f32 to vector<16xf32>
        %add3A_29 = arith.addf %sub3A_27, %add3A_28 : vector<16xf32>
        %bitcast_convert_type3A = tpu.bitcast %add3A_29 : vector<16xf32> -> vector<16xi32>
        %shift_right_arithmetic3A = arith.constant 23 : i32
        %shift_right_arithmetic3A_30 = vector.broadcast %shift_right_arithmetic3A : i32 to vector<16xi32>
        %shift_right_arithmetic3A_31 = arith.shrsi %bitcast_convert_type3A, %shift_right_arithmetic3A_30 : vector<16xi32>
        %sub3A_32 = arith.constant 126 : i32
        %sub3A_33 = vector.broadcast %sub3A_32 : i32 to vector<16xi32>
        %sub3A_34 = arith.subi %shift_right_arithmetic3A_31, %sub3A_33 : vector<16xi32>
        %and3A = arith.constant 8388607 : i32
        %and3A_35 = vector.broadcast %and3A : i32 to vector<16xi32>
        %and3A_36 = arith.andi %bitcast_convert_type3A, %and3A_35 : vector<16xi32>
        %or3A = arith.constant 1056964608 : i32
        %or3A_37 = vector.broadcast %or3A : i32 to vector<16xi32>
        %or3A_38 = arith.ori %and3A_36, %or3A_37 : vector<16xi32>
        %bitcast_convert_type3A_39 = tpu.bitcast %or3A_38 : vector<16xi32> -> vector<16xf32>
        %convert_element_type3A_40 = arith.sitofp %sub3A_34 : vector<16xi32> to vector<16xf32>
        %lt3A_41 = arith.constant 0.707106769 : f32
        %lt3A_42 = vector.broadcast %lt3A_41 : f32 to vector<16xf32>
        %lt3A_43 = arith.cmpf olt, %bitcast_convert_type3A_39, %lt3A_42 : vector<16xf32>
        %sub3A_44 = arith.constant 1.000000e+00 : f32
        %sub3A_45 = vector.broadcast %sub3A_44 : f32 to vector<16xf32>
        %sub3A_46 = arith.subf %convert_element_type3A_40, %sub3A_45 : vector<16xf32>
        %select_n3A = arith.select %lt3A_43, %sub3A_46, %convert_element_type3A_40 : vector<16xi1>, vector<16xf32>
        %add3A_47 = arith.addf %bitcast_convert_type3A_39, %bitcast_convert_type3A_39 : vector<16xf32>
        %sub3A_48 = arith.constant 1.000000e+00 : f32
        %sub3A_49 = vector.broadcast %sub3A_48 : f32 to vector<16xf32>
        %sub3A_50 = arith.subf %add3A_47, %sub3A_49 : vector<16xf32>
        %sub3A_51 = arith.constant 1.000000e+00 : f32
        %sub3A_52 = vector.broadcast %sub3A_51 : f32 to vector<16xf32>
        %sub3A_53 = arith.subf %bitcast_convert_type3A_39, %sub3A_52 : vector<16xf32>
        %select_n3A_54 = arith.select %lt3A_43, %sub3A_50, %sub3A_53 : vector<16xi1>, vector<16xf32>
        %mul3A_55 = arith.mulf %select_n3A_54, %select_n3A_54 : vector<16xf32>
        %mul3A_56 = arith.constant 0.0703768358 : f32
        %mul3A_57 = vector.broadcast %mul3A_56 : f32 to vector<16xf32>
        %mul3A_58 = arith.mulf %mul3A_57, %select_n3A_54 : vector<16xf32>
        %add3A_59 = arith.constant -0.115146101 : f32
        %add3A_60 = vector.broadcast %add3A_59 : f32 to vector<16xf32>
        %add3A_61 = arith.addf %mul3A_58, %add3A_60 : vector<16xf32>
        %mul3A_62 = arith.mulf %add3A_61, %select_n3A_54 : vector<16xf32>
        %add3A_63 = arith.constant 0.116769984 : f32
        %add3A_64 = vector.broadcast %add3A_63 : f32 to vector<16xf32>
        %add3A_65 = arith.addf %mul3A_62, %add3A_64 : vector<16xf32>
        %mul3A_66 = arith.mulf %add3A_65, %select_n3A_54 : vector<16xf32>
        %add3A_67 = arith.constant -0.12420141 : f32
        %add3A_68 = vector.broadcast %add3A_67 : f32 to vector<16xf32>
        %add3A_69 = arith.addf %mul3A_66, %add3A_68 : vector<16xf32>
        %mul3A_70 = arith.mulf %add3A_69, %select_n3A_54 : vector<16xf32>
        %add3A_71 = arith.constant 0.142493233 : f32
        %add3A_72 = vector.broadcast %add3A_71 : f32 to vector<16xf32>
        %add3A_73 = arith.addf %mul3A_70, %add3A_72 : vector<16xf32>
        %mul3A_74 = arith.mulf %add3A_73, %select_n3A_54 : vector<16xf32>
        %add3A_75 = arith.constant -0.166680574 : f32
        %add3A_76 = vector.broadcast %add3A_75 : f32 to vector<16xf32>
        %add3A_77 = arith.addf %mul3A_74, %add3A_76 : vector<16xf32>
        %mul3A_78 = arith.mulf %add3A_77, %select_n3A_54 : vector<16xf32>
        %add3A_79 = arith.constant 0.200007141 : f32
        %add3A_80 = vector.broadcast %add3A_79 : f32 to vector<16xf32>
        %add3A_81 = arith.addf %mul3A_78, %add3A_80 : vector<16xf32>
        %mul3A_82 = arith.mulf %add3A_81, %select_n3A_54 : vector<16xf32>
        %add3A_83 = arith.constant -0.24999994 : f32
        %add3A_84 = vector.broadcast %add3A_83 : f32 to vector<16xf32>
        %add3A_85 = arith.addf %mul3A_82, %add3A_84 : vector<16xf32>
        %mul3A_86 = arith.mulf %add3A_85, %select_n3A_54 : vector<16xf32>
        %add3A_87 = arith.constant 0.333333313 : f32
        %add3A_88 = vector.broadcast %add3A_87 : f32 to vector<16xf32>
        %add3A_89 = arith.addf %mul3A_86, %add3A_88 : vector<16xf32>
        %mul3A_90 = arith.mulf %add3A_89, %select_n3A_54 : vector<16xf32>
        %mul3A_91 = arith.mulf %mul3A_90, %mul3A_55 : vector<16xf32>
        %mul3A_92 = arith.constant 5.000000e-01 : f32
        %mul3A_93 = vector.broadcast %mul3A_92 : f32 to vector<16xf32>
        %mul3A_94 = arith.mulf %mul3A_93, %mul3A_55 : vector<16xf32>
        %sub3A_95 = arith.subf %mul3A_91, %mul3A_94 : vector<16xf32>
        %add3A_96 = arith.addf %select_n3A_54, %sub3A_95 : vector<16xf32>
        %mul3A_97 = arith.constant 0.693147182 : f32
        %mul3A_98 = vector.broadcast %mul3A_97 : f32 to vector<16xf32>
        %mul3A_99 = arith.mulf %select_n3A, %mul3A_98 : vector<16xf32>
        %add3A_100 = arith.addf %add3A_96, %mul3A_99 : vector<16xf32>
        %add3A_101 = arith.addf %scan3A_22, %add3A_100 : vector<16xf32>
        scf.yield %add3A_101 : vector<16xf32>
      }
      %scan3A_17 = arith.constant 42 : i32
      %swap3A = arith.constant 0 : index
      %swap3A_18 = tpu.vector_load %arg9[%swap3A] {strides = array<i32>} : memref<16xf32, #tpu.memory_space<vmem>>, vector<16xf32>,
      tpu.vector_store %arg9[%swap3A], %scan3A_16 {strides = array<i32>} : memref<16xf32, #tpu.memory_space<vmem>>, vector<16xf32>,
      %mul3A_19 = arith.constant 16 : i32
      %mul3A_20 = arith.muli %arg1, %mul3A_19 : i32
      "tpu.region"() ({
        %run_scoped3A = tpu.sem_alloc : memref<!tpu.dma_semaphore, #tpu.memory_space<semaphore_mem>>
        %dma_start3A = tpu.memref_slice %arg12[%mul3A_20] : memref<288xf32, #tpu.memory_space<vmem_shared>> -> memref<16xf32, #tpu.memory_space<vmem_shared>>
        %dma_start3A_21 = tpu.memref_slice %arg12[%mul3A_20] : memref<288xf32, #tpu.memory_space<vmem_shared>> -> memref<16xf32, #tpu.memory_space<vmem_shared>>
        tpu.enqueue_dma source(%arg9 : memref<16xf32, #tpu.memory_space<vmem>>) target(%dma_start3A_21 : memref<16xf32, #tpu.memory_space<vmem_shared>>) target_semaphore(%run_scoped3A : memref<!tpu.dma_semaphore, #tpu.memory_space<semaphore_mem>>)
        %dma_wait3A = tpu.memref_slice %arg12[%mul3A_20] : memref<288xf32, #tpu.memory_space<vmem_shared>> -> memref<16xf32, #tpu.memory_space<vmem_shared>>
        %dma_wait3A_22 = tpu.memref_slice %arg12[%mul3A_20] : memref<288xf32, #tpu.memory_space<vmem_shared>> -> memref<16xf32, #tpu.memory_space<vmem_shared>>
        tpu.wait_dma2 semaphore(%run_scoped3A : memref<!tpu.dma_semaphore, #tpu.memory_space<semaphore_mem>>) src(%arg9 : memref<16xf32, #tpu.memory_space<vmem>>) dst(%dma_wait3A_22 : memref<16xf32, #tpu.memory_space<vmem_shared>>)
        tpu.yield
      }) : () -> ()
    } else {
    }
    %eq3A = arith.constant 14 : i32
    %eq3A_3 = arith.cmpi eq, %arg1, %eq3A : i32
    %convert_element_type3A_4 = arith.extui %eq3A_3 : i1 to i32
    %cond3A_5 = arith.constant 0 : i32
    %cond3A_6 = arith.cmpi ne, %convert_element_type3A_4, %cond3A_5 : i32
    scf.if %cond3A_6 {
      %swap3A = arith.constant 9472 : index
      %swap3A_12 = tpu.vector_load %arg6[%swap3A] {strides = array<i32>} : memref<9488xf32, #tpu.memory_space<vmem>>, vector<16xf32>,
      tpu.vector_store %arg6[%swap3A], %broadcast_in_dim3A_0 {strides = array<i32>} : memref<9488xf32, #tpu.memory_space<vmem>>, vector<16xf32>,
      %dma_start3A = arith.constant 0 : i32
      %dma_start3A_13 = tpu.memref_slice %arg6[%dma_start3A] : memref<9488xf32, #tpu.memory_space<vmem>> -> memref<9487xf32, #tpu.memory_space<vmem>>
      %dma_start3A_14 = arith.constant 0 : i32
      %dma_start3A_15 = tpu.memref_slice %arg6[%dma_start3A_14] : memref<9488xf32, #tpu.memory_space<vmem>> -> memref<9487xf32, #tpu.memory_space<vmem>>
      tpu.enqueue_dma source(%arg2 : memref<9487xf32, #tpu.memory_space<hbm>>) target(%dma_start3A_15 : memref<9487xf32, #tpu.memory_space<vmem>>) target_semaphore(%arg13 : memref<!tpu.dma_semaphore, #tpu.memory_space<semaphore_mem>>)
      "tpu.region"() ({
        %run_scoped3A = tpu.sem_alloc : memref<!tpu.dma_semaphore, #tpu.memory_space<semaphore_mem>>
        tpu.enqueue_dma source(%arg3 : memref<80xi32, #tpu.memory_space<hbm>>) target(%arg7 : memref<80xi32, #tpu.memory_space<vmem>>) target_semaphore(%run_scoped3A : memref<!tpu.dma_semaphore, #tpu.memory_space<semaphore_mem>>)
        tpu.wait_dma2 semaphore(%run_scoped3A : memref<!tpu.dma_semaphore, #tpu.memory_space<semaphore_mem>>) src(%arg3 : memref<80xi32, #tpu.memory_space<hbm>>) dst(%arg7 : memref<80xi32, #tpu.memory_space<vmem>>)
        tpu.yield
      }) : () -> ()
      %scan3A = arith.constant 0 : i32
      %scan3A_16 = arith.constant 0 : i32
      %scan3A_17 = arith.constant 5 : i32
      %scan3A_18 = arith.addi %scan3A_16, %scan3A_17 : i32
      %scan3A_19 = arith.constant 1 : i32
      scf.for %scan3A_125 = %scan3A_16 to %scan3A_18 step %scan3A_19  : i32 {
        %mul3A_126 = arith.constant 16 : i32
        %mul3A_127 = arith.muli %scan3A_125, %mul3A_126 : i32
        %get3A_128 = arith.index_cast %mul3A_127 : i32 to index
        %get3A_129 = tpu.vector_load %arg7[%get3A_128] {strides = array<i32>} : memref<80xi32, #tpu.memory_space<vmem>>, vector<16xi32>,
        %mul3A_130 = arith.constant 16 : i32
        %mul3A_131 = arith.muli %scan3A_125, %mul3A_130 : i32
        %add3A_132 = vector.broadcast %mul3A_131 : i32 to vector<16xi32>
        %add3A_133 = arith.addi %add3A_132, %iota3A : vector<16xi32>
        tpu.vector_store_idx %arg8[%get3A_129], %add3A_133 : memref<9487xi32, #tpu.memory_space<vmem>>[vector<16xi32>], vector<16xi32>,
      }
      %scan3A_20 = arith.constant 5 : i32
      %dma_wait3A = arith.constant 0 : i32
      %dma_wait3A_21 = tpu.memref_slice %arg6[%dma_wait3A] : memref<9488xf32, #tpu.memory_space<vmem>> -> memref<9487xf32, #tpu.memory_space<vmem>>
      %dma_wait3A_22 = arith.constant 0 : i32
      %dma_wait3A_23 = tpu.memref_slice %arg6[%dma_wait3A_22] : memref<9488xf32, #tpu.memory_space<vmem>> -> memref<9487xf32, #tpu.memory_space<vmem>>
      tpu.wait_dma2 semaphore(%arg13 : memref<!tpu.dma_semaphore, #tpu.memory_space<semaphore_mem>>) src(%arg2 : memref<9487xf32, #tpu.memory_space<hbm>>) dst(%dma_wait3A_23 : memref<9487xf32, #tpu.memory_space<vmem>>)
      %scan3A_24 = arith.constant 0 : i32
      %scan3A_25 = arith.constant 5 : i32
      %scan3A_26 = arith.addi %scan3A_24, %scan3A_25 : i32
      %scan3A_27 = arith.constant 1 : i32
      %scan3A_28:3 = scf.for %scan3A_125 = %scan3A_24 to %scan3A_26 step %scan3A_27 iter_args(%scan3A_126 = %broadcast_in_dim3A_0, %scan3A_127 = %broadcast_in_dim3A_0, %scan3A_128 = %broadcast_in_dim3A_0) -> (vector<16xf32>, vector<16xf32>, vector<16xf32>)  : i32 {
        %mul3A_129 = arith.constant 16 : i32
        %mul3A_130 = arith.muli %scan3A_125, %mul3A_129 : i32
        %add3A_131 = vector.broadcast %mul3A_130 : i32 to vector<16xi32>
        %add3A_132 = arith.addi %add3A_131, %iota3A : vector<16xi32>
        %mul3A_133 = arith.constant 16 : i32
        %mul3A_134 = arith.muli %scan3A_125, %mul3A_133 : i32
        %get3A_135 = arith.index_cast %mul3A_134 : i32 to index
        %get3A_136 = tpu.vector_load %arg7[%get3A_135] {strides = array<i32>} : memref<80xi32, #tpu.memory_space<vmem>>, vector<16xi32>,
        %gather3A = tpu.vector_load_idx %arg8[%get3A_136] : memref<9487xi32, #tpu.memory_space<vmem>>[vector<16xi32>], vector<16xi32>,
        %gather3A_137 = tpu.vector_load_idx %arg6[%get3A_136] : memref<9488xf32, #tpu.memory_space<vmem>>[vector<16xi32>], vector<16xf32>,
        %eq3A_138 = arith.cmpi eq, %gather3A, %add3A_132 : vector<16xi32>
        %gt3A = arith.constant 0 : i32
        %gt3A_139 = vector.broadcast %gt3A : i32 to vector<16xi32>
        %gt3A_140 = arith.cmpi sgt, %get3A_136, %gt3A_139 : vector<16xi32>
        %and3A_141 = arith.andi %eq3A_138, %gt3A_140 : vector<16xi1>
        %jit3A_142 = arith.constant 1.000000e+00 : f32
        %jit3A_143 = arith.constant 0.000000e+00 : f32
        %broadcast_in_dim3A_144 = vector.broadcast %jit3A_142 : f32 to vector<16xf32>
        %broadcast_in_dim3A_145 = vector.broadcast %jit3A_143 : f32 to vector<16xf32>
        %select_n3A_146 = arith.select %and3A_141, %broadcast_in_dim3A_144, %broadcast_in_dim3A_145 : vector<16xi1>, vector<16xf32>
        %add3A_147 = arith.constant 1.000000e-30 : f32
        %add3A_148 = vector.broadcast %add3A_147 : f32 to vector<16xf32>
        %add3A_149 = arith.addf %gather3A_137, %add3A_148 : vector<16xf32>
        %bitcast_convert_type3A_150 = tpu.bitcast %add3A_149 : vector<16xf32> -> vector<16xi32>
        %shift_right_arithmetic3A_151 = arith.constant 23 : i32
        %shift_right_arithmetic3A_152 = vector.broadcast %shift_right_arithmetic3A_151 : i32 to vector<16xi32>
        %shift_right_arithmetic3A_153 = arith.shrsi %bitcast_convert_type3A_150, %shift_right_arithmetic3A_152 : vector<16xi32>
        %sub3A_154 = arith.constant 126 : i32
        %sub3A_155 = vector.broadcast %sub3A_154 : i32 to vector<16xi32>
        %sub3A_156 = arith.subi %shift_right_arithmetic3A_153, %sub3A_155 : vector<16xi32>
        %and3A_157 = arith.constant 8388607 : i32
        %and3A_158 = vector.broadcast %and3A_157 : i32 to vector<16xi32>
        %and3A_159 = arith.andi %bitcast_convert_type3A_150, %and3A_158 : vector<16xi32>
        %or3A_160 = arith.constant 1056964608 : i32
        %or3A_161 = vector.broadcast %or3A_160 : i32 to vector<16xi32>
        %or3A_162 = arith.ori %and3A_159, %or3A_161 : vector<16xi32>
        %bitcast_convert_type3A_163 = tpu.bitcast %or3A_162 : vector<16xi32> -> vector<16xf32>
        %convert_element_type3A_164 = arith.sitofp %sub3A_156 : vector<16xi32> to vector<16xf32>
        %lt3A_165 = arith.constant 0.707106769 : f32
        %lt3A_166 = vector.broadcast %lt3A_165 : f32 to vector<16xf32>
        %lt3A_167 = arith.cmpf olt, %bitcast_convert_type3A_163, %lt3A_166 : vector<16xf32>
        %sub3A_168 = arith.constant 1.000000e+00 : f32
        %sub3A_169 = vector.broadcast %sub3A_168 : f32 to vector<16xf32>
        %sub3A_170 = arith.subf %convert_element_type3A_164, %sub3A_169 : vector<16xf32>
        %select_n3A_171 = arith.select %lt3A_167, %sub3A_170, %convert_element_type3A_164 : vector<16xi1>, vector<16xf32>
        %add3A_172 = arith.addf %bitcast_convert_type3A_163, %bitcast_convert_type3A_163 : vector<16xf32>
        %sub3A_173 = arith.constant 1.000000e+00 : f32
        %sub3A_174 = vector.broadcast %sub3A_173 : f32 to vector<16xf32>
        %sub3A_175 = arith.subf %add3A_172, %sub3A_174 : vector<16xf32>
        %sub3A_176 = arith.constant 1.000000e+00 : f32
        %sub3A_177 = vector.broadcast %sub3A_176 : f32 to vector<16xf32>
        %sub3A_178 = arith.subf %bitcast_convert_type3A_163, %sub3A_177 : vector<16xf32>
        %select_n3A_179 = arith.select %lt3A_167, %sub3A_175, %sub3A_178 : vector<16xi1>, vector<16xf32>
        %mul3A_180 = arith.mulf %select_n3A_179, %select_n3A_179 : vector<16xf32>
        %mul3A_181 = arith.constant 0.0703768358 : f32
        %mul3A_182 = vector.broadcast %mul3A_181 : f32 to vector<16xf32>
        %mul3A_183 = arith.mulf %mul3A_182, %select_n3A_179 : vector<16xf32>
        %add3A_184 = arith.constant -0.115146101 : f32
        %add3A_185 = vector.broadcast %add3A_184 : f32 to vector<16xf32>
        %add3A_186 = arith.addf %mul3A_183, %add3A_185 : vector<16xf32>
        %mul3A_187 = arith.mulf %add3A_186, %select_n3A_179 : vector<16xf32>
        %add3A_188 = arith.constant 0.116769984 : f32
        %add3A_189 = vector.broadcast %add3A_188 : f32 to vector<16xf32>
        %add3A_190 = arith.addf %mul3A_187, %add3A_189 : vector<16xf32>
        %mul3A_191 = arith.mulf %add3A_190, %select_n3A_179 : vector<16xf32>
        %add3A_192 = arith.constant -0.12420141 : f32
        %add3A_193 = vector.broadcast %add3A_192 : f32 to vector<16xf32>
        %add3A_194 = arith.addf %mul3A_191, %add3A_193 : vector<16xf32>
        %mul3A_195 = arith.mulf %add3A_194, %select_n3A_179 : vector<16xf32>
        %add3A_196 = arith.constant 0.142493233 : f32
        %add3A_197 = vector.broadcast %add3A_196 : f32 to vector<16xf32>
        %add3A_198 = arith.addf %mul3A_195, %add3A_197 : vector<16xf32>
        %mul3A_199 = arith.mulf %add3A_198, %select_n3A_179 : vector<16xf32>
        %add3A_200 = arith.constant -0.166680574 : f32
        %add3A_201 = vector.broadcast %add3A_200 : f32 to vector<16xf32>
        %add3A_202 = arith.addf %mul3A_199, %add3A_201 : vector<16xf32>
        %mul3A_203 = arith.mulf %add3A_202, %select_n3A_179 : vector<16xf32>
        %add3A_204 = arith.constant 0.200007141 : f32
        %add3A_205 = vector.broadcast %add3A_204 : f32 to vector<16xf32>
        %add3A_206 = arith.addf %mul3A_203, %add3A_205 : vector<16xf32>
        %mul3A_207 = arith.mulf %add3A_206, %select_n3A_179 : vector<16xf32>
        %add3A_208 = arith.constant -0.24999994 : f32
        %add3A_209 = vector.broadcast %add3A_208 : f32 to vector<16xf32>
        %add3A_210 = arith.addf %mul3A_207, %add3A_209 : vector<16xf32>
        %mul3A_211 = arith.mulf %add3A_210, %select_n3A_179 : vector<16xf32>
        %add3A_212 = arith.constant 0.333333313 : f32
        %add3A_213 = vector.broadcast %add3A_212 : f32 to vector<16xf32>
        %add3A_214 = arith.addf %mul3A_211, %add3A_213 : vector<16xf32>
        %mul3A_215 = arith.mulf %add3A_214, %select_n3A_179 : vector<16xf32>
        %mul3A_216 = arith.mulf %mul3A_215, %mul3A_180 : vector<16xf32>
        %mul3A_217 = arith.constant 5.000000e-01 : f32
        %mul3A_218 = vector.broadcast %mul3A_217 : f32 to vector<16xf32>
        %mul3A_219 = arith.mulf %mul3A_218, %mul3A_180 : vector<16xf32>
        %sub3A_220 = arith.subf %mul3A_216, %mul3A_219 : vector<16xf32>
        %add3A_221 = arith.addf %select_n3A_179, %sub3A_220 : vector<16xf32>
        %mul3A_222 = arith.constant 0.693147182 : f32
        %mul3A_223 = vector.broadcast %mul3A_222 : f32 to vector<16xf32>
        %mul3A_224 = arith.mulf %select_n3A_171, %mul3A_223 : vector<16xf32>
        %add3A_225 = arith.addf %add3A_221, %mul3A_224 : vector<16xf32>
        %mul3A_226 = arith.mulf %add3A_225, %select_n3A_146 : vector<16xf32>
        %add3A_227 = arith.addf %scan3A_126, %mul3A_226 : vector<16xf32>
        %sub3A_228 = arith.constant 1.000000e+00 : f32
        %sub3A_229 = vector.broadcast %sub3A_228 : f32 to vector<16xf32>
        %sub3A_230 = arith.subf %sub3A_229, %gather3A_137 : vector<16xf32>
        %add3A_231 = arith.constant 1.000000e-15 : f32
        %add3A_232 = vector.broadcast %add3A_231 : f32 to vector<16xf32>
        %add3A_233 = arith.addf %sub3A_230, %add3A_232 : vector<16xf32>
        %bitcast_convert_type3A_234 = tpu.bitcast %add3A_233 : vector<16xf32> -> vector<16xi32>
        %shift_right_arithmetic3A_235 = arith.constant 23 : i32
        %shift_right_arithmetic3A_236 = vector.broadcast %shift_right_arithmetic3A_235 : i32 to vector<16xi32>
        %shift_right_arithmetic3A_237 = arith.shrsi %bitcast_convert_type3A_234, %shift_right_arithmetic3A_236 : vector<16xi32>
        %sub3A_238 = arith.constant 126 : i32
        %sub3A_239 = vector.broadcast %sub3A_238 : i32 to vector<16xi32>
        %sub3A_240 = arith.subi %shift_right_arithmetic3A_237, %sub3A_239 : vector<16xi32>
        %and3A_241 = arith.constant 8388607 : i32
        %and3A_242 = vector.broadcast %and3A_241 : i32 to vector<16xi32>
        %and3A_243 = arith.andi %bitcast_convert_type3A_234, %and3A_242 : vector<16xi32>
        %or3A_244 = arith.constant 1056964608 : i32
        %or3A_245 = vector.broadcast %or3A_244 : i32 to vector<16xi32>
        %or3A_246 = arith.ori %and3A_243, %or3A_245 : vector<16xi32>
        %bitcast_convert_type3A_247 = tpu.bitcast %or3A_246 : vector<16xi32> -> vector<16xf32>
        %convert_element_type3A_248 = arith.sitofp %sub3A_240 : vector<16xi32> to vector<16xf32>
        %lt3A_249 = arith.constant 0.707106769 : f32
        %lt3A_250 = vector.broadcast %lt3A_249 : f32 to vector<16xf32>
        %lt3A_251 = arith.cmpf olt, %bitcast_convert_type3A_247, %lt3A_250 : vector<16xf32>
        %sub3A_252 = arith.constant 1.000000e+00 : f32
        %sub3A_253 = vector.broadcast %sub3A_252 : f32 to vector<16xf32>
        %sub3A_254 = arith.subf %convert_element_type3A_248, %sub3A_253 : vector<16xf32>
        %select_n3A_255 = arith.select %lt3A_251, %sub3A_254, %convert_element_type3A_248 : vector<16xi1>, vector<16xf32>
        %add3A_256 = arith.addf %bitcast_convert_type3A_247, %bitcast_convert_type3A_247 : vector<16xf32>
        %sub3A_257 = arith.constant 1.000000e+00 : f32
        %sub3A_258 = vector.broadcast %sub3A_257 : f32 to vector<16xf32>
        %sub3A_259 = arith.subf %add3A_256, %sub3A_258 : vector<16xf32>
        %sub3A_260 = arith.constant 1.000000e+00 : f32
        %sub3A_261 = vector.broadcast %sub3A_260 : f32 to vector<16xf32>
        %sub3A_262 = arith.subf %bitcast_convert_type3A_247, %sub3A_261 : vector<16xf32>
        %select_n3A_263 = arith.select %lt3A_251, %sub3A_259, %sub3A_262 : vector<16xi1>, vector<16xf32>
        %mul3A_264 = arith.mulf %select_n3A_263, %select_n3A_263 : vector<16xf32>
        %mul3A_265 = arith.constant 0.0703768358 : f32
        %mul3A_266 = vector.broadcast %mul3A_265 : f32 to vector<16xf32>
        %mul3A_267 = arith.mulf %mul3A_266, %select_n3A_263 : vector<16xf32>
        %add3A_268 = arith.constant -0.115146101 : f32
        %add3A_269 = vector.broadcast %add3A_268 : f32 to vector<16xf32>
        %add3A_270 = arith.addf %mul3A_267, %add3A_269 : vector<16xf32>
        %mul3A_271 = arith.mulf %add3A_270, %select_n3A_263 : vector<16xf32>
        %add3A_272 = arith.constant 0.116769984 : f32
        %add3A_273 = vector.broadcast %add3A_272 : f32 to vector<16xf32>
        %add3A_274 = arith.addf %mul3A_271, %add3A_273 : vector<16xf32>
        %mul3A_275 = arith.mulf %add3A_274, %select_n3A_263 : vector<16xf32>
        %add3A_276 = arith.constant -0.12420141 : f32
        %add3A_277 = vector.broadcast %add3A_276 : f32 to vector<16xf32>
        %add3A_278 = arith.addf %mul3A_275, %add3A_277 : vector<16xf32>
        %mul3A_279 = arith.mulf %add3A_278, %select_n3A_263 : vector<16xf32>
        %add3A_280 = arith.constant 0.142493233 : f32
        %add3A_281 = vector.broadcast %add3A_280 : f32 to vector<16xf32>
        %add3A_282 = arith.addf %mul3A_279, %add3A_281 : vector<16xf32>
        %mul3A_283 = arith.mulf %add3A_282, %select_n3A_263 : vector<16xf32>
        %add3A_284 = arith.constant -0.166680574 : f32
        %add3A_285 = vector.broadcast %add3A_284 : f32 to vector<16xf32>
        %add3A_286 = arith.addf %mul3A_283, %add3A_285 : vector<16xf32>
        %mul3A_287 = arith.mulf %add3A_286, %select_n3A_263 : vector<16xf32>
        %add3A_288 = arith.constant 0.200007141 : f32
        %add3A_289 = vector.broadcast %add3A_288 : f32 to vector<16xf32>
        %add3A_290 = arith.addf %mul3A_287, %add3A_289 : vector<16xf32>
        %mul3A_291 = arith.mulf %add3A_290, %select_n3A_263 : vector<16xf32>
        %add3A_292 = arith.constant -0.24999994 : f32
        %add3A_293 = vector.broadcast %add3A_292 : f32 to vector<16xf32>
        %add3A_294 = arith.addf %mul3A_291, %add3A_293 : vector<16xf32>
        %mul3A_295 = arith.mulf %add3A_294, %select_n3A_263 : vector<16xf32>
        %add3A_296 = arith.constant 0.333333313 : f32
        %add3A_297 = vector.broadcast %add3A_296 : f32 to vector<16xf32>
        %add3A_298 = arith.addf %mul3A_295, %add3A_297 : vector<16xf32>
        %mul3A_299 = arith.mulf %add3A_298, %select_n3A_263 : vector<16xf32>
        %mul3A_300 = arith.mulf %mul3A_299, %mul3A_264 : vector<16xf32>
        %mul3A_301 = arith.constant 5.000000e-01 : f32
        %mul3A_302 = vector.broadcast %mul3A_301 : f32 to vector<16xf32>
        %mul3A_303 = arith.mulf %mul3A_302, %mul3A_264 : vector<16xf32>
        %sub3A_304 = arith.subf %mul3A_300, %mul3A_303 : vector<16xf32>
        %add3A_305 = arith.addf %select_n3A_263, %sub3A_304 : vector<16xf32>
        %mul3A_306 = arith.constant 0.693147182 : f32
        %mul3A_307 = vector.broadcast %mul3A_306 : f32 to vector<16xf32>
        %mul3A_308 = arith.mulf %select_n3A_255, %mul3A_307 : vector<16xf32>
        %add3A_309 = arith.addf %add3A_305, %mul3A_308 : vector<16xf32>
        %mul3A_310 = arith.mulf %add3A_309, %select_n3A_146 : vector<16xf32>
        %add3A_311 = arith.addf %scan3A_127, %mul3A_310 : vector<16xf32>
        %add3A_312 = arith.addf %scan3A_128, %select_n3A_146 : vector<16xf32>
        scf.yield %add3A_227, %add3A_311, %add3A_312 : vector<16xf32>, vector<16xf32>, vector<16xf32>
      }
      %scan3A_29 = arith.constant 5 : i32
      %eq3A_30 = arith.constant 0 : i32
      %eq3A_31 = vector.broadcast %eq3A_30 : i32 to vector<16xi32>
      %eq3A_32 = arith.cmpi eq, %iota3A, %eq3A_31 : vector<16xi32>
      %get3A = arith.constant 0 : index
      %get3A_33 = tpu.vector_load %arg6[%get3A] {strides = array<i32>} : memref<9488xf32, #tpu.memory_space<vmem>>, vector<16xf32>,
      %sub3A = arith.constant 1.000000e+00 : f32
      %sub3A_34 = vector.broadcast %sub3A : f32 to vector<16xf32>
      %sub3A_35 = arith.subf %sub3A_34, %get3A_33 : vector<16xf32>
      %add3A = arith.constant 1.000000e-15 : f32
      %add3A_36 = vector.broadcast %add3A : f32 to vector<16xf32>
      %add3A_37 = arith.addf %sub3A_35, %add3A_36 : vector<16xf32>
      %bitcast_convert_type3A = tpu.bitcast %add3A_37 : vector<16xf32> -> vector<16xi32>
      %shift_right_arithmetic3A = arith.constant 23 : i32
      %shift_right_arithmetic3A_38 = vector.broadcast %shift_right_arithmetic3A : i32 to vector<16xi32>
      %shift_right_arithmetic3A_39 = arith.shrsi %bitcast_convert_type3A, %shift_right_arithmetic3A_38 : vector<16xi32>
      %sub3A_40 = arith.constant 126 : i32
      %sub3A_41 = vector.broadcast %sub3A_40 : i32 to vector<16xi32>
      %sub3A_42 = arith.subi %shift_right_arithmetic3A_39, %sub3A_41 : vector<16xi32>
      %and3A = arith.constant 8388607 : i32
      %and3A_43 = vector.broadcast %and3A : i32 to vector<16xi32>
      %and3A_44 = arith.andi %bitcast_convert_type3A, %and3A_43 : vector<16xi32>
      %or3A = arith.constant 1056964608 : i32
      %or3A_45 = vector.broadcast %or3A : i32 to vector<16xi32>
      %or3A_46 = arith.ori %and3A_44, %or3A_45 : vector<16xi32>
      %bitcast_convert_type3A_47 = tpu.bitcast %or3A_46 : vector<16xi32> -> vector<16xf32>
      %convert_element_type3A_48 = arith.sitofp %sub3A_42 : vector<16xi32> to vector<16xf32>
      %lt3A_49 = arith.constant 0.707106769 : f32
      %lt3A_50 = vector.broadcast %lt3A_49 : f32 to vector<16xf32>
      %lt3A_51 = arith.cmpf olt, %bitcast_convert_type3A_47, %lt3A_50 : vector<16xf32>
      %sub3A_52 = arith.constant 1.000000e+00 : f32
      %sub3A_53 = vector.broadcast %sub3A_52 : f32 to vector<16xf32>
      %sub3A_54 = arith.subf %convert_element_type3A_48, %sub3A_53 : vector<16xf32>
      %select_n3A = arith.select %lt3A_51, %sub3A_54, %convert_element_type3A_48 : vector<16xi1>, vector<16xf32>
      %add3A_55 = arith.addf %bitcast_convert_type3A_47, %bitcast_convert_type3A_47 : vector<16xf32>
      %sub3A_56 = arith.constant 1.000000e+00 : f32
      %sub3A_57 = vector.broadcast %sub3A_56 : f32 to vector<16xf32>
      %sub3A_58 = arith.subf %add3A_55, %sub3A_57 : vector<16xf32>
      %sub3A_59 = arith.constant 1.000000e+00 : f32
      %sub3A_60 = vector.broadcast %sub3A_59 : f32 to vector<16xf32>
      %sub3A_61 = arith.subf %bitcast_convert_type3A_47, %sub3A_60 : vector<16xf32>
      %select_n3A_62 = arith.select %lt3A_51, %sub3A_58, %sub3A_61 : vector<16xi1>, vector<16xf32>
      %mul3A = arith.mulf %select_n3A_62, %select_n3A_62 : vector<16xf32>
      %mul3A_63 = arith.constant 0.0703768358 : f32
      %mul3A_64 = vector.broadcast %mul3A_63 : f32 to vector<16xf32>
      %mul3A_65 = arith.mulf %mul3A_64, %select_n3A_62 : vector<16xf32>
      %add3A_66 = arith.constant -0.115146101 : f32
      %add3A_67 = vector.broadcast %add3A_66 : f32 to vector<16xf32>
      %add3A_68 = arith.addf %mul3A_65, %add3A_67 : vector<16xf32>
      %mul3A_69 = arith.mulf %add3A_68, %select_n3A_62 : vector<16xf32>
      %add3A_70 = arith.constant 0.116769984 : f32
      %add3A_71 = vector.broadcast %add3A_70 : f32 to vector<16xf32>
      %add3A_72 = arith.addf %mul3A_69, %add3A_71 : vector<16xf32>
      %mul3A_73 = arith.mulf %add3A_72, %select_n3A_62 : vector<16xf32>
      %add3A_74 = arith.constant -0.12420141 : f32
      %add3A_75 = vector.broadcast %add3A_74 : f32 to vector<16xf32>
      %add3A_76 = arith.addf %mul3A_73, %add3A_75 : vector<16xf32>
      %mul3A_77 = arith.mulf %add3A_76, %select_n3A_62 : vector<16xf32>
      %add3A_78 = arith.constant 0.142493233 : f32
      %add3A_79 = vector.broadcast %add3A_78 : f32 to vector<16xf32>
      %add3A_80 = arith.addf %mul3A_77, %add3A_79 : vector<16xf32>
      %mul3A_81 = arith.mulf %add3A_80, %select_n3A_62 : vector<16xf32>
      %add3A_82 = arith.constant -0.166680574 : f32
      %add3A_83 = vector.broadcast %add3A_82 : f32 to vector<16xf32>
      %add3A_84 = arith.addf %mul3A_81, %add3A_83 : vector<16xf32>
      %mul3A_85 = arith.mulf %add3A_84, %select_n3A_62 : vector<16xf32>
      %add3A_86 = arith.constant 0.200007141 : f32
      %add3A_87 = vector.broadcast %add3A_86 : f32 to vector<16xf32>
      %add3A_88 = arith.addf %mul3A_85, %add3A_87 : vector<16xf32>
      %mul3A_89 = arith.mulf %add3A_88, %select_n3A_62 : vector<16xf32>
      %add3A_90 = arith.constant -0.24999994 : f32
      %add3A_91 = vector.broadcast %add3A_90 : f32 to vector<16xf32>
      %add3A_92 = arith.addf %mul3A_89, %add3A_91 : vector<16xf32>
      %mul3A_93 = arith.mulf %add3A_92, %select_n3A_62 : vector<16xf32>
      %add3A_94 = arith.constant 0.333333313 : f32
      %add3A_95 = vector.broadcast %add3A_94 : f32 to vector<16xf32>
      %add3A_96 = arith.addf %mul3A_93, %add3A_95 : vector<16xf32>
      %mul3A_97 = arith.mulf %add3A_96, %select_n3A_62 : vector<16xf32>
      %mul3A_98 = arith.mulf %mul3A_97, %mul3A : vector<16xf32>
      %mul3A_99 = arith.constant 5.000000e-01 : f32
      %mul3A_100 = vector.broadcast %mul3A_99 : f32 to vector<16xf32>
      %mul3A_101 = arith.mulf %mul3A_100, %mul3A : vector<16xf32>
      %sub3A_102 = arith.subf %mul3A_98, %mul3A_101 : vector<16xf32>
      %add3A_103 = arith.addf %select_n3A_62, %sub3A_102 : vector<16xf32>
      %mul3A_104 = arith.constant 0.693147182 : f32
      %mul3A_105 = vector.broadcast %mul3A_104 : f32 to vector<16xf32>
      %mul3A_106 = arith.mulf %select_n3A, %mul3A_105 : vector<16xf32>
      %add3A_107 = arith.addf %add3A_103, %mul3A_106 : vector<16xf32>
      %jit3A = arith.constant 0.000000e+00 : f32
      %broadcast_in_dim3A_108 = vector.broadcast %jit3A : f32 to vector<16xf32>
      %select_n3A_109 = arith.select %eq3A_32, %add3A_107, %broadcast_in_dim3A_108 : vector<16xi1>, vector<16xf32>
      %add3A_110 = arith.addf %scan3A_28#1, %select_n3A_109 : vector<16xf32>
      %scan3A_111 = arith.constant 0 : i32
      %scan3A_112 = arith.constant 5 : i32
      %scan3A_113 = arith.addi %scan3A_111, %scan3A_112 : i32
      %scan3A_114 = arith.constant 1 : i32
      %scan3A_115 = scf.for %scan3A_125 = %scan3A_111 to %scan3A_113 step %scan3A_114 iter_args(%scan3A_126 = %broadcast_in_dim3A_0) -> (vector<16xf32>)  : i32 {
        %mul3A_127 = arith.constant 16 : i32
        %mul3A_128 = arith.muli %scan3A_125, %mul3A_127 : i32
        %add3A_129 = arith.constant 9408 : i32
        %add3A_130 = arith.addi %add3A_129, %mul3A_128 : i32
        %get3A_131 = arith.index_cast %add3A_130 : i32 to index
        %get3A_132 = tpu.vector_load %arg6[%get3A_131] {strides = array<i32>} : memref<9488xf32, #tpu.memory_space<vmem>>, vector<16xf32>,
        %sub3A_133 = arith.constant 1.000000e+00 : f32
        %sub3A_134 = vector.broadcast %sub3A_133 : f32 to vector<16xf32>
        %sub3A_135 = arith.subf %sub3A_134, %get3A_132 : vector<16xf32>
        %add3A_136 = arith.constant 1.000000e-15 : f32
        %add3A_137 = vector.broadcast %add3A_136 : f32 to vector<16xf32>
        %add3A_138 = arith.addf %sub3A_135, %add3A_137 : vector<16xf32>
        %bitcast_convert_type3A_139 = tpu.bitcast %add3A_138 : vector<16xf32> -> vector<16xi32>
        %shift_right_arithmetic3A_140 = arith.constant 23 : i32
        %shift_right_arithmetic3A_141 = vector.broadcast %shift_right_arithmetic3A_140 : i32 to vector<16xi32>
        %shift_right_arithmetic3A_142 = arith.shrsi %bitcast_convert_type3A_139, %shift_right_arithmetic3A_141 : vector<16xi32>
        %sub3A_143 = arith.constant 126 : i32
        %sub3A_144 = vector.broadcast %sub3A_143 : i32 to vector<16xi32>
        %sub3A_145 = arith.subi %shift_right_arithmetic3A_142, %sub3A_144 : vector<16xi32>
        %and3A_146 = arith.constant 8388607 : i32
        %and3A_147 = vector.broadcast %and3A_146 : i32 to vector<16xi32>
        %and3A_148 = arith.andi %bitcast_convert_type3A_139, %and3A_147 : vector<16xi32>
        %or3A_149 = arith.constant 1056964608 : i32
        %or3A_150 = vector.broadcast %or3A_149 : i32 to vector<16xi32>
        %or3A_151 = arith.ori %and3A_148, %or3A_150 : vector<16xi32>
        %bitcast_convert_type3A_152 = tpu.bitcast %or3A_151 : vector<16xi32> -> vector<16xf32>
        %convert_element_type3A_153 = arith.sitofp %sub3A_145 : vector<16xi32> to vector<16xf32>
        %lt3A_154 = arith.constant 0.707106769 : f32
        %lt3A_155 = vector.broadcast %lt3A_154 : f32 to vector<16xf32>
        %lt3A_156 = arith.cmpf olt, %bitcast_convert_type3A_152, %lt3A_155 : vector<16xf32>
        %sub3A_157 = arith.constant 1.000000e+00 : f32
        %sub3A_158 = vector.broadcast %sub3A_157 : f32 to vector<16xf32>
        %sub3A_159 = arith.subf %convert_element_type3A_153, %sub3A_158 : vector<16xf32>
        %select_n3A_160 = arith.select %lt3A_156, %sub3A_159, %convert_element_type3A_153 : vector<16xi1>, vector<16xf32>
        %add3A_161 = arith.addf %bitcast_convert_type3A_152, %bitcast_convert_type3A_152 : vector<16xf32>
        %sub3A_162 = arith.constant 1.000000e+00 : f32
        %sub3A_163 = vector.broadcast %sub3A_162 : f32 to vector<16xf32>
        %sub3A_164 = arith.subf %add3A_161, %sub3A_163 : vector<16xf32>
        %sub3A_165 = arith.constant 1.000000e+00 : f32
        %sub3A_166 = vector.broadcast %sub3A_165 : f32 to vector<16xf32>
        %sub3A_167 = arith.subf %bitcast_convert_type3A_152, %sub3A_166 : vector<16xf32>
        %select_n3A_168 = arith.select %lt3A_156, %sub3A_164, %sub3A_167 : vector<16xi1>, vector<16xf32>
        %mul3A_169 = arith.mulf %select_n3A_168, %select_n3A_168 : vector<16xf32>
        %mul3A_170 = arith.constant 0.0703768358 : f32
        %mul3A_171 = vector.broadcast %mul3A_170 : f32 to vector<16xf32>
        %mul3A_172 = arith.mulf %mul3A_171, %select_n3A_168 : vector<16xf32>
        %add3A_173 = arith.constant -0.115146101 : f32
        %add3A_174 = vector.broadcast %add3A_173 : f32 to vector<16xf32>
        %add3A_175 = arith.addf %mul3A_172, %add3A_174 : vector<16xf32>
        %mul3A_176 = arith.mulf %add3A_175, %select_n3A_168 : vector<16xf32>
        %add3A_177 = arith.constant 0.116769984 : f32
        %add3A_178 = vector.broadcast %add3A_177 : f32 to vector<16xf32>
        %add3A_179 = arith.addf %mul3A_176, %add3A_178 : vector<16xf32>
        %mul3A_180 = arith.mulf %add3A_179, %select_n3A_168 : vector<16xf32>
        %add3A_181 = arith.constant -0.12420141 : f32
        %add3A_182 = vector.broadcast %add3A_181 : f32 to vector<16xf32>
        %add3A_183 = arith.addf %mul3A_180, %add3A_182 : vector<16xf32>
        %mul3A_184 = arith.mulf %add3A_183, %select_n3A_168 : vector<16xf32>
        %add3A_185 = arith.constant 0.142493233 : f32
        %add3A_186 = vector.broadcast %add3A_185 : f32 to vector<16xf32>
        %add3A_187 = arith.addf %mul3A_184, %add3A_186 : vector<16xf32>
        %mul3A_188 = arith.mulf %add3A_187, %select_n3A_168 : vector<16xf32>
        %add3A_189 = arith.constant -0.166680574 : f32
        %add3A_190 = vector.broadcast %add3A_189 : f32 to vector<16xf32>
        %add3A_191 = arith.addf %mul3A_188, %add3A_190 : vector<16xf32>
        %mul3A_192 = arith.mulf %add3A_191, %select_n3A_168 : vector<16xf32>
        %add3A_193 = arith.constant 0.200007141 : f32
        %add3A_194 = vector.broadcast %add3A_193 : f32 to vector<16xf32>
        %add3A_195 = arith.addf %mul3A_192, %add3A_194 : vector<16xf32>
        %mul3A_196 = arith.mulf %add3A_195, %select_n3A_168 : vector<16xf32>
        %add3A_197 = arith.constant -0.24999994 : f32
        %add3A_198 = vector.broadcast %add3A_197 : f32 to vector<16xf32>
        %add3A_199 = arith.addf %mul3A_196, %add3A_198 : vector<16xf32>
        %mul3A_200 = arith.mulf %add3A_199, %select_n3A_168 : vector<16xf32>
        %add3A_201 = arith.constant 0.333333313 : f32
        %add3A_202 = vector.broadcast %add3A_201 : f32 to vector<16xf32>
        %add3A_203 = arith.addf %mul3A_200, %add3A_202 : vector<16xf32>
        %mul3A_204 = arith.mulf %add3A_203, %select_n3A_168 : vector<16xf32>
        %mul3A_205 = arith.mulf %mul3A_204, %mul3A_169 : vector<16xf32>
        %mul3A_206 = arith.constant 5.000000e-01 : f32
        %mul3A_207 = vector.broadcast %mul3A_206 : f32 to vector<16xf32>
        %mul3A_208 = arith.mulf %mul3A_207, %mul3A_169 : vector<16xf32>
        %sub3A_209 = arith.subf %mul3A_205, %mul3A_208 : vector<16xf32>
        %add3A_210 = arith.addf %select_n3A_168, %sub3A_209 : vector<16xf32>
        %mul3A_211 = arith.constant 0.693147182 : f32
        %mul3A_212 = vector.broadcast %mul3A_211 : f32 to vector<16xf32>
        %mul3A_213 = arith.mulf %select_n3A_160, %mul3A_212 : vector<16xf32>
        %add3A_214 = arith.addf %add3A_210, %mul3A_213 : vector<16xf32>
        %add3A_215 = arith.addf %scan3A_126, %add3A_214 : vector<16xf32>
        scf.yield %add3A_215 : vector<16xf32>
      }
      %scan3A_116 = arith.constant 5 : i32
      %swap3A_117 = arith.constant 0 : index
      %swap3A_118 = tpu.vector_load %arg10[%swap3A_117] {strides = array<i32>} : memref<64xf32, #tpu.memory_space<vmem>>, vector<16xf32>,
      tpu.vector_store %arg10[%swap3A_117], %scan3A_28#0 {strides = array<i32>} : memref<64xf32, #tpu.memory_space<vmem>>, vector<16xf32>,
      %swap3A_119 = arith.constant 16 : index
      %swap3A_120 = tpu.vector_load %arg10[%swap3A_119] {strides = array<i32>} : memref<64xf32, #tpu.memory_space<vmem>>, vector<16xf32>,
      tpu.vector_store %arg10[%swap3A_119], %add3A_110 {strides = array<i32>} : memref<64xf32, #tpu.memory_space<vmem>>, vector<16xf32>,
      %swap3A_121 = arith.constant 32 : index
      %swap3A_122 = tpu.vector_load %arg10[%swap3A_121] {strides = array<i32>} : memref<64xf32, #tpu.memory_space<vmem>>, vector<16xf32>,
      tpu.vector_store %arg10[%swap3A_121], %scan3A_28#2 {strides = array<i32>} : memref<64xf32, #tpu.memory_space<vmem>>, vector<16xf32>,
      %swap3A_123 = arith.constant 48 : index
      %swap3A_124 = tpu.vector_load %arg10[%swap3A_123] {strides = array<i32>} : memref<64xf32, #tpu.memory_space<vmem>>, vector<16xf32>,
      tpu.vector_store %arg10[%swap3A_123], %scan3A_115 {strides = array<i32>} : memref<64xf32, #tpu.memory_space<vmem>>, vector<16xf32>,
      "tpu.region"() ({
        %run_scoped3A = tpu.sem_alloc : memref<!tpu.dma_semaphore, #tpu.memory_space<semaphore_mem>>
        %dma_start3A_125 = arith.constant 224 : i32
        %dma_start3A_126 = tpu.memref_slice %arg12[%dma_start3A_125] : memref<288xf32, #tpu.memory_space<vmem_shared>> -> memref<64xf32, #tpu.memory_space<vmem_shared>>
        %dma_start3A_127 = arith.constant 224 : i32
        %dma_start3A_128 = tpu.memref_slice %arg12[%dma_start3A_127] : memref<288xf32, #tpu.memory_space<vmem_shared>> -> memref<64xf32, #tpu.memory_space<vmem_shared>>
        tpu.enqueue_dma source(%arg10 : memref<64xf32, #tpu.memory_space<vmem>>) target(%dma_start3A_128 : memref<64xf32, #tpu.memory_space<vmem_shared>>) target_semaphore(%run_scoped3A : memref<!tpu.dma_semaphore, #tpu.memory_space<semaphore_mem>>)
        %dma_wait3A_129 = arith.constant 224 : i32
        %dma_wait3A_130 = tpu.memref_slice %arg12[%dma_wait3A_129] : memref<288xf32, #tpu.memory_space<vmem_shared>> -> memref<64xf32, #tpu.memory_space<vmem_shared>>
        %dma_wait3A_131 = arith.constant 224 : i32
        %dma_wait3A_132 = tpu.memref_slice %arg12[%dma_wait3A_131] : memref<288xf32, #tpu.memory_space<vmem_shared>> -> memref<64xf32, #tpu.memory_space<vmem_shared>>
        tpu.wait_dma2 semaphore(%run_scoped3A : memref<!tpu.dma_semaphore, #tpu.memory_space<semaphore_mem>>) src(%arg10 : memref<64xf32, #tpu.memory_space<vmem>>) dst(%dma_wait3A_132 : memref<64xf32, #tpu.memory_space<vmem_shared>>)
        tpu.yield
      }) : () -> ()
    } else {
    }
    %barrier3A = arith.constant 0 : index
    tpu.barrier barrier_id(%barrier3A)
    %eq3A_7 = arith.constant 0 : i32
    %eq3A_8 = arith.cmpi eq, %arg1, %eq3A_7 : i32
    %convert_element_type3A_9 = arith.extui %eq3A_8 : i1 to i32
    %cond3A_10 = arith.constant 0 : i32
    %cond3A_11 = arith.cmpi ne, %convert_element_type3A_9, %cond3A_10 : i32
    scf.if %cond3A_11 {
      "tpu.region"() ({
        %run_scoped3A = tpu.sem_alloc : memref<!tpu.dma_semaphore, #tpu.memory_space<semaphore_mem>>
        tpu.enqueue_dma source(%arg12 : memref<288xf32, #tpu.memory_space<vmem_shared>>) target(%arg11 : memref<288xf32, #tpu.memory_space<vmem>>) target_semaphore(%run_scoped3A : memref<!tpu.dma_semaphore, #tpu.memory_space<semaphore_mem>>)
        tpu.wait_dma2 semaphore(%run_scoped3A : memref<!tpu.dma_semaphore, #tpu.memory_space<semaphore_mem>>) src(%arg12 : memref<288xf32, #tpu.memory_space<vmem_shared>>) dst(%arg11 : memref<288xf32, #tpu.memory_space<vmem>>)
        tpu.yield
      }) : () -> ()
      %scan3A = arith.constant 0 : i32
      %scan3A_12 = arith.constant 14 : i32
      %scan3A_13 = arith.addi %scan3A, %scan3A_12 : i32
      %scan3A_14 = arith.constant 1 : i32
      %scan3A_15 = scf.for %scan3A_51 = %scan3A to %scan3A_13 step %scan3A_14 iter_args(%scan3A_52 = %broadcast_in_dim3A_0) -> (vector<16xf32>)  : i32 {
        %mul3A = arith.constant 16 : i32
        %mul3A_53 = arith.muli %scan3A_51, %mul3A : i32
        %get3A_54 = arith.index_cast %mul3A_53 : i32 to index
        %get3A_55 = tpu.vector_load %arg11[%get3A_54] {strides = array<i32>} : memref<288xf32, #tpu.memory_space<vmem>>, vector<16xf32>,
        %add3A_56 = arith.addf %scan3A_52, %get3A_55 : vector<16xf32>
        scf.yield %add3A_56 : vector<16xf32>
      }
      %scan3A_16 = arith.constant 14 : i32
      %get3A = arith.constant 272 : index
      %get3A_17 = tpu.vector_load %arg11[%get3A] {strides = array<i32>} : memref<288xf32, #tpu.memory_space<vmem>>, vector<16xf32>,
      %add3A = arith.addf %scan3A_15, %get3A_17 : vector<16xf32>
      %get3A_18 = arith.constant 224 : index
      %get3A_19 = tpu.vector_load %arg11[%get3A_18] {strides = array<i32>} : memref<288xf32, #tpu.memory_space<vmem>>, vector<16xf32>,
      %reduce_sum3A = arith.constant true
      %reduce_sum3A_20 = vector.broadcast %reduce_sum3A : i1 to vector<16xi1>
      %reduce_sum3A_21 = tpu.scan <sum>, %get3A_19 masked %reduce_sum3A_20 : vector<16xf32>, vector<16xi1> -> vector<16xf32>
      %reduce_sum3A_22 = vector.extract %reduce_sum3A_21[15] : f32 from vector<16xf32>
      %broadcast_in_dim3A_23 = vector.broadcast %reduce_sum3A_22 : f32 to vector<16xf32>
      %get3A_24 = arith.constant 240 : index
      %get3A_25 = tpu.vector_load %arg11[%get3A_24] {strides = array<i32>} : memref<288xf32, #tpu.memory_space<vmem>>, vector<16xf32>,
      %reduce_sum3A_26 = arith.constant true
      %reduce_sum3A_27 = vector.broadcast %reduce_sum3A_26 : i1 to vector<16xi1>
      %reduce_sum3A_28 = tpu.scan <sum>, %get3A_25 masked %reduce_sum3A_27 : vector<16xf32>, vector<16xi1> -> vector<16xf32>
      %reduce_sum3A_29 = vector.extract %reduce_sum3A_28[15] : f32 from vector<16xf32>
      %broadcast_in_dim3A_30 = vector.broadcast %reduce_sum3A_29 : f32 to vector<16xf32>
      %get3A_31 = arith.constant 256 : index
      %get3A_32 = tpu.vector_load %arg11[%get3A_31] {strides = array<i32>} : memref<288xf32, #tpu.memory_space<vmem>>, vector<16xf32>,
      %reduce_sum3A_33 = arith.constant true
      %reduce_sum3A_34 = vector.broadcast %reduce_sum3A_33 : i1 to vector<16xi1>
      %reduce_sum3A_35 = tpu.scan <sum>, %get3A_32 masked %reduce_sum3A_34 : vector<16xf32>, vector<16xi1> -> vector<16xf32>
      %reduce_sum3A_36 = vector.extract %reduce_sum3A_35[15] : f32 from vector<16xf32>
      %broadcast_in_dim3A_37 = vector.broadcast %reduce_sum3A_36 : f32 to vector<16xf32>
      %reduce_sum3A_38 = arith.constant true
      %reduce_sum3A_39 = vector.broadcast %reduce_sum3A_38 : i1 to vector<16xi1>
      %reduce_sum3A_40 = tpu.scan <sum>, %add3A masked %reduce_sum3A_39 : vector<16xf32>, vector<16xi1> -> vector<16xf32>
      %reduce_sum3A_41 = vector.extract %reduce_sum3A_40[15] : f32 from vector<16xf32>
      %broadcast_in_dim3A_42 = vector.broadcast %reduce_sum3A_41 : f32 to vector<16xf32>
      %neg3A = arith.constant 0.000000e+00 : f32
      %neg3A_43 = vector.broadcast %neg3A : f32 to vector<16xf32>
      %neg3A_44 = arith.subf %neg3A_43, %broadcast_in_dim3A_23 : vector<16xf32>
      %div3A = arith.divf %neg3A_44, %broadcast_in_dim3A_37 : vector<16xf32>
      %sub3A = arith.subf %broadcast_in_dim3A_42, %broadcast_in_dim3A_30 : vector<16xf32>
      %sub3A_45 = arith.constant 9.486000e+03 : f32
      %sub3A_46 = vector.broadcast %sub3A_45 : f32 to vector<16xf32>
      %sub3A_47 = arith.subf %sub3A_46, %broadcast_in_dim3A_37 : vector<16xf32>
      %div3A_48 = arith.divf %sub3A, %sub3A_47 : vector<16xf32>
      %sub3A_49 = arith.subf %div3A, %div3A_48 : vector<16xf32>
      %swap3A = arith.constant 0 : index
      %swap3A_50 = tpu.vector_load %arg9[%swap3A] {strides = array<i32>} : memref<16xf32, #tpu.memory_space<vmem>>, vector<16xf32>,
      tpu.vector_store %arg9[%swap3A], %sub3A_49 {strides = array<i32>} : memref<16xf32, #tpu.memory_space<vmem>>, vector<16xf32>,
      "tpu.region"() ({
        %run_scoped3A = tpu.sem_alloc : memref<!tpu.dma_semaphore, #tpu.memory_space<semaphore_mem>>
        %dma_start3A = arith.constant 0 : i32
        %dma_start3A_51 = tpu.memref_slice %arg9[%dma_start3A] : memref<16xf32, #tpu.memory_space<vmem>> -> memref<1xf32, #tpu.memory_space<vmem>>
        %dma_start3A_52 = arith.constant 0 : i32
        %dma_start3A_53 = tpu.memref_slice %arg9[%dma_start3A_52] : memref<16xf32, #tpu.memory_space<vmem>> -> memref<1xf32, #tpu.memory_space<vmem>>
        tpu.enqueue_dma source(%dma_start3A_53 : memref<1xf32, #tpu.memory_space<vmem>>) target(%arg4 : memref<1xf32, #tpu.memory_space<hbm>>) target_semaphore(%run_scoped3A : memref<!tpu.dma_semaphore, #tpu.memory_space<semaphore_mem>>)
        %dma_wait3A = arith.constant 0 : i32
        %dma_wait3A_54 = tpu.memref_slice %arg9[%dma_wait3A] : memref<16xf32, #tpu.memory_space<vmem>> -> memref<1xf32, #tpu.memory_space<vmem>>
        %dma_wait3A_55 = arith.constant 0 : i32
        %dma_wait3A_56 = tpu.memref_slice %arg9[%dma_wait3A_55] : memref<16xf32, #tpu.memory_space<vmem>> -> memref<1xf32, #tpu.memory_space<vmem>>
        tpu.wait_dma2 semaphore(%run_scoped3A : memref<!tpu.dma_semaphore, #tpu.memory_space<semaphore_mem>>) src(%dma_wait3A_56 : memref<1xf32, #tpu.memory_space<vmem>>) dst(%arg4 : memref<1xf32, #tpu.memory_space<hbm>>)
        tpu.yield
      }) : () -> ()
    } else {
    }
    return
  }
}

</mosaic_0001>

<sc_bundles>
// kernel: kernel.3.cloned.1.call-start
scs
__scs_entry_jumppad:
0x0: {  	(pc) =	sbr.rel $0x88, $3  }
0x1: {  	(tag) =	ssettag $0x0;
	lr =	simm.s32 $0x1  }
0x2: {  	[smem:$0x3F9F] =	sst lr;
	_ =	strace $0xD0000000  }
0x3: {  	_ = 	snop  }
0x4: {  	_ = 	snop  }
0x5: {  	_ = 	snop  }
0x6: {  	_ = 	snop  }
0x7: {  	_ = 	snop  }
__scs_overlays_trampoline_lowered:
0x8: {  	[smem:$0x3FAE] =	sst s0  }
0x9: {  	[smem:$0x3FAF] =	sst s1  }
0xa: {  	[smem:$0x3FB0] =	sst s2  }
0xb: {  	[smem:$0x3FB1] =	sst s3  }
0xc: {  	[smem:$0x3FB2] =	sst s4  }
0xd: {  	[smem:$0x3FB3] =	sst s5  }
0xe: {  	[smem:$0x3FB4] =	sst s6  }
0xf: {  	[smem:$0x3FB5] =	sst s7  }
0x10: {  	[smem:$0x3FB6] =	sst s8  }
0x11: {  	[smem:$0x3FB7] =	sst s9;
	s0 =	simm.s32 @!p0 $0x0  }
0x12: {  	s1 =	sld [smem:$0x3F9D];
	s0 =	simm.s32 @p0 $0x1  }
0x13: {  	[smem:$0x3FB8] =	sst s0;
	s0 =	simm.s32 @!p1 $0x0  }
0x14: {  	s2 =	sld [smem:$0x3F9C];
	s0 =	simm.s32 @p1 $0x1  }
0x15: {  	[smem:$0x3FB9] =	sst s0;
	s0 =	simm.s32 @!p2 $0x0  }
0x16: {  	s3 =	sld [smem:$0x3FDB];
	s0 =	simm.s32 @p2 $0x1  }
0x17: {  	s4 =	simm.s32 $0x1BF5;
	[smem:$0x3FBB] =	sst s0  }
0x18: {  	s0 =	sld [smem:$0x3F9E];
	_ =	swait.ge [sflag:s4], $0x0  }
0x19: {  	s7 =	sld [smem:$0x3F9F]  }
0x1a: {  	s8 =	sadd.s32 $0xFFFFE003, lr  }
0x1b: {  	s9 =	sadd.s32 $0xFFFFFEF7, lr;
	s5 =	simm.s32 $0xFFFFFFFF;
	p2 =	slt.u32 s8, $0xFFFFF086  }
0x1c: {  	p1 =	slt.u32 s9, $0xF7A;
	s5 =	simm.s32 @!p2 $0x0  }
0x1d: {  	s5 =	simm.s32 @p1 $0x1;
	p0 =	seq.s32 s7, s2  }
0x1e: {  	s7 =	smul.u32 @!p0 $0xF7A, s2;
	p2 =	seq.s32 @!p0 s5, $0x0  }
0x1f: {  	s9 =	smul.u32 $0xF7A, s1;
	s8 =	simm.s32 @!p0 $0x1BF5;
	p2 =	por !p2, p0  }
0x20: {  	[sflag:s8] =	ssyncset.s32 @!p0 $0xFFFFF086;
	s6 =	sadd.s32 @!p0 s3, s7;
	s7 =	simm.s32 @!p0 $0x108  }
0x21: {  	s3 =	sadd.s32 s3, s9;
	s6 =	sadd.s32 @!p0 $0x88, s6;
	s7 =	simm.s32 @p2 $0x1082  }
0x22: {  	[simem:s7], [sflag:s8] =	dma.local @!p0 [hbm:s6], $0xF7A  }
0x23: {  	s9 =	sor.u32 $0xD0000000, s2;
	s6 =	simm.s32 $0x108;
	_ =	swait.ge @!p0 [sflag:s8], $0x0  }
0x24: {  	s3 =	sadd.s32 $0x88, s3;
	s6 =	simm.s32 @!p1 $0x1082;
	[sflag:s4] =	ssyncset.s32 $0xFFFFF086  }
0x25: {  	[simem:s6], [sflag:s4] =	dma.local [hbm:s3], $0xF7A  }
0x26: {  	[smem:$0x3F9F] =	sst s1;
	(tag) =	ssettag s2;
	_ =	strace s9  }
0x27: {  	s1 =	sld [smem:$0x3FAF]  }
0x28: {  	s2 =	sld [smem:$0x3FB0]  }
0x29: {  	s4 =	sld [smem:$0x3FB2]  }
0x2a: {  	p0 =	seq.s32 s5, $0x0;
	s5 =	sld [smem:$0x3FB3]  }
0x2b: {  	s6 =	sld [smem:$0x3FB4]  }
0x2c: {  	s7 =	sld [smem:$0x3FB5]  }
0x2d: {  	s3 =	simm.s32 $0x108;
	s8 =	sld [smem:$0x3FB6]  }
0x2e: {  	s3 =	simm.s32 @!p0 $0x1082;
	s9 =	sld [smem:$0x3FB7]  }
0x2f: {  	lr =	sadd.s32 s0, s3;
	s0 =	sld [smem:$0x3FAE]  }
0x30: {  	s3 =	sld [smem:$0x3FB1]  }
0x31: {  	[smem:$0x3FBA] =	sst s10  }
0x32: {  	s10 =	sld [smem:$0x3FB8];
	_ =	sdelay $0x3  }
0x33: {  	p0 =	seq.s32 s10, $0x1;
	s10 =	sld [smem:$0x3FBA];
	_ =	sdelay $0x3  }
0x34: {  	[smem:$0x3FBA] =	sst s10  }
0x35: {  	s10 =	sld [smem:$0x3FB9];
	_ =	sdelay $0x3  }
0x36: {  	p1 =	seq.s32 s10, $0x1;
	s10 =	sld [smem:$0x3FBA];
	_ =	sdelay $0x3  }
0x37: {  	[smem:$0x3FBA] =	sst s10  }
0x38: {  	s10 =	sld [smem:$0x3FBB]  }
0x39: {  	_ = 	snop;
	(pc) =	sbr.ind lr, $3  }
0x3a: {  	_ = 	snop  }
0x3b: {  	_ = 	snop  }
0x3c: {  	p2 =	seq.s32 s10, $0x1;
	s10 =	sld [smem:$0x3FBA]  }
0x3d: {  	_ =	shalt  }
0x3e: {  	_ =	shalt  }
0x3f: {  	_ =	shalt  }
0x40: {  	_ =	shalt  }
0x41: {  	_ =	shalt  }
0x42: {  	_ =	shalt  }
0x43: {  	_ =	shalt  }
0x44: {  	_ =	shalt  }
0x45: {  	_ =	shalt  }
0x46: {  	_ =	shalt  }
0x47: {  	_ =	shalt  }
0x48: {  	_ =	shalt  }
0x49: {  	_ =	shalt  }
0x4a: {  	_ =	shalt  }
0x4b: {  	_ =	shalt  }
0x4c: {  	_ =	shalt  }
0x4d: {  	_ =	shalt  }
0x4e: {  	_ =	shalt  }
0x4f: {  	_ =	shalt  }
0x50: {  	_ =	shalt  }
0x51: {  	_ =	shalt  }
0x52: {  	_ =	shalt  }
0x53: {  	_ =	shalt  }
0x54: {  	_ =	shalt  }
0x55: {  	_ =	shalt  }
0x56: {  	_ =	shalt  }
0x57: {  	_ =	shalt  }
0x58: {  	_ =	shalt  }
0x59: {  	_ =	shalt  }
0x5a: {  	_ =	shalt  }
0x5b: {  	_ =	shalt  }
0x5c: {  	_ =	shalt  }
0x5d: {  	_ =	shalt  }
0x5e: {  	_ =	shalt  }
0x5f: {  	_ =	shalt  }
0x60: {  	_ =	shalt  }
0x61: {  	_ =	shalt  }
0x62: {  	_ =	shalt  }
0x63: {  	_ =	shalt  }
0x64: {  	_ =	shalt  }
0x65: {  	_ =	shalt  }
0x66: {  	_ =	shalt  }
0x67: {  	_ =	shalt  }
0x68: {  	_ =	shalt  }
0x69: {  	_ =	shalt  }
0x6a: {  	_ =	shalt  }
0x6b: {  	_ =	shalt  }
0x6c: {  	_ =	shalt  }
0x6d: {  	_ =	shalt  }
0x6e: {  	_ =	shalt  }
0x6f: {  	_ =	shalt  }
0x70: {  	_ =	shalt  }
0x71: {  	_ =	shalt  }
0x72: {  	_ =	shalt  }
0x73: {  	_ =	shalt  }
0x74: {  	_ =	shalt  }
0x75: {  	_ =	shalt  }
0x76: {  	_ =	shalt  }
0x77: {  	_ =	shalt  }
0x78: {  	_ =	shalt  }
0x79: {  	_ =	shalt  }
0x7a: {  	_ =	shalt  }
0x7b: {  	_ =	shalt  }
0x7c: {  	_ =	shalt  }
0x7d: {  	_ =	shalt  }
0x7e: {  	_ =	shalt  }
0x7f: {  	_ =	shalt  }
0x80: {  	_ =	shalt  }
0x81: {  	_ =	shalt  }
0x82: {  	_ =	shalt  }
0x83: {  	_ =	shalt  }
0x84: {  	_ =	shalt  }
0x85: {  	_ =	shalt  }
0x86: {  	_ =	shalt  }
0x87: {  	_ =	shalt  }
.Lfunc_end0:
.L_simem_size_0:
called_computation_lowered:
.L_overlay_start_0:
0x88: {  	s0 =	sld [smem:$0x3FD9]  }
0x89: {  	s1 =	sld [smem:$0x3FFE];
	_ =	sdelay $0x3  }
0x8a: {  	s0 =	sadd.s32 s1, s0  }
0x8b: {  	[smem:$0x3FC6] =	sst s0  }
0x8c: {  	_ = 	snop  }
0x8d: {  	s0 =	sld [smem:$0x3FD0];
	(tm) =	ssettm $0x1  }
0x8e: {  	s16 =	sld [smem:$0x3FFB];
	_ =	sdelay $0x3  }
0x8f: {  	_ =	strace s16  }
0x90: {  	s1 =	sld [smem:$0x3FFC];
	_ =	sdelay $0x3  }
0x91: {  	_ =	strace s1  }
0x92: {  	s1 =	sld [smem:$0x3FFD];
	_ =	sdelay $0x3  }
0x93: {  	_ =	strace s1  }
0x94: {  	_ =	strace $0x8FFFFFFF  }
0x95: {  	s17 =	sld [smem:$0x3FDB];
	_ =	sdelay $0x1  }
0x96: {  	s2 =	simm.s32 $_scs_section_size  }
0x97: {  	s3 =	simm.s32 $_size__tile_overlayer_lowered;
	s4 =	simm.s32 $_tile_overlayer_lowered  }
0x98: {  	s20 =	simm.s32 $0x1BFF;
	s19 =	sshll.u32 s4, $0x1;
	s1 =	sadd.s32 s2, s17  }
0x99: {  	s5 =	simm.s32 $0x0;
	s18 =	sshll.u32 s3, $0x1;
	s3 =	sadd.s32 s19, s1  }
0x9a: {  	[timem:s5], [sflag:s20] =	dma.local [hbm:s3], s18  }
0x9b: {  	_ =	swait.ge [sflag:s20], s18  }
0x9c: {  	s2 =	ssub.s32 $0x0, s18;
	[sflag:s20] =	ssyncset.done $0x0  }
0x9d: {  	[sflag:s20] =	ssyncadd.s32 s2;
	_ =	sdelay $0x1  }
0x9e: {  	s21 =	simm.s32 $0x1B8B  }
0x9f: {  	_ =	swait.ge [sflag:s21], $0x1  }
0xa0: {  	[sflag:s21] =	ssyncset.done $0x0  }
0xa1: {  	s23 =	simm.s32 $0x1B8E;
	s22 =	sld [smem:$0x3FFE];
	[sflag:s21] =	ssyncadd.s32 $0xFFFFFFFF  }
0xa2: {  	s24 =	simm.s32 $execute0_lowered;
	[smem:$0x3FD2] =	sst s23  }
0xa3: {  	s3 =	sshll.u32 s24, $0x1;
	_ =	strace $0x80000046;
	[dreg:$0x1] =	wrdreg $0xFFFFFFFF  }
0xa4: {  	s25 =	simm.s32 $_size_execute0_lowered;
	s1 =	sadd.s32 s1, s3;
	[dreg:$0x0] =	wrdreg $0x0  }
0xa5: {  	s3 =	sshll.u32 s25, $0x1;
	[dreg:$0x2] =	wrdreg s1  }
0xa6: {  	[dreg:$0x3] =	wrdreg s3  }
0xa7: {  	[dreg:$0x4] =	wrdreg $0xC0  }
0xa8: {  	_ =	task [dreg:s5], $0x5FFFF  }
0xa9: {  	[dreg:$0x1] =	wrdreg $0xFFFFFFFF  }
0xaa: {  	[dreg:$0x0] =	wrdreg $0x60  }
0xab: {  	[dreg:$0x2] =	wrdreg s22  }
0xac: {  	[dreg:$0x3] =	wrdreg s0  }
0xad: {  	[dreg:$0x4] =	wrdreg $0x51000  }
0xae: {  	[dreg:$0x5] =	wrdreg $0x9  }
0xaf: {  	_ =	task.clear_ibuf [dreg:s5], $0x6FFFF;
	_ =	strace $0x90000046  }
0xb0: {  	s26 =	simm.s32 $0x9;
	_ =	strace $0x80000048  }
0xb1: {  	_ =	swait.ge [sflag:s26], $0x1  }
0xb2: {  	[sflag:s26] =	ssyncadd.s32 $0xFFFFFFFF  }
0xb3: {  	_ =	strace $0x90000048  }
0xb4: {  	_ =	sfence  }
0xb5: {  	s28 =	sld [smem:$0x0];
	_ =	sdelay $0x1  }
0xb6: {  	s29 =	srdreg.scid  }
0xb7: {  	s30 =	sshll.u32 s29, $0xD;
	s31 =	sshrl.u32 s29, $0x2  }
0xb8: {  	s2 =	sand.u32 $0x4000, s30;
	s1 =	sand.u32 $0x1, s29;
	s0 =	sadd.s32 s31, s28  }
0xb9: {  	s1 =	sor.u32 s2, s1;
	s0 =	sshll.u32 s0, $0x11  }
0xba: {  	s0 =	sor.u32 s0, s1  }
0xbb: {  	s0 =	sadd.s32 $0x8F2B, s0  }
0xbc: {  	[sflag:s0] =	ssyncadd.remote.s32 $0x1  }
0xbd: {  	_ =	sfence.sel $0xFFFF  }
0xbe: {  	[dreg:$0x0] =	wrdreg $0xFFFFFFFF;
	(pc) =	sbr.abs _section_cstart, $3  }
0xbf: {  	[dreg:$0x1] =	wrdreg $0xFFFFFFFF  }
0xc0: {  	_ =	task.clear_ibuf [dreg:s5], $0x2FFFF;
	_ =	strace $0x9FFFFFFF  }
0xc1: {  	(tm) =	ssettm $0x7FFFFFFF  }
tec
execute0_lowered:
.L_overlay_start_1:
0x0: {  	(tag) =	ssettag $0x1  }
0x1: {  	s1 =	stileid.u32  }
0x2: {  	p0 =	sgt.u32 s1, $0xD  }
.Ltmp0:
0x3: {  	s4 =	rddreg [dreg:$0x0];
	(pc) =	sbr.rel @p0 .LBB2_5-.Ltmp0, $4  }
0x4: {  	s3 =	rddreg [dreg:$0x1]  }
0x5: {  	s2 =	rddreg [dreg:$0x2];
	s6 =	simm.s32 $0x0  }
0x6: {  	[smem:$0x7FF] =	sst s6  }
0x7: {  	s0 =	rddreg [dreg:$0x3];
	s5 =	sadd.s32 $0x200, s4;
	_ =	strace $0x80000047  }
0x8: {  	s4 =	smul.u32 $0x54, s1;
	_ =	sdelay $0x1  }
0x9: {  	s24 =	simm.s32 $0x2;
	s4 =	sadd.s32 s5, s4  }
0xa: {  	[tilespmem:s6], [sflag:$0x2] =	stream.linear.gather [hbm4b:s4+s6], $0x2A0, $0x38;
	[tilespmem:$0x5118] =	vst v63  }
0xb: {  	_ =	swait.ge [sflag:s24], $0x2A0  }
0xc: {  	[sflag:s24] =	ssyncset.done $0x0  }
0xd: {  	s25 =	simm.s32 $0x0;
	[sflag:s24] =	ssyncadd.s32 $0xFFFFFD60  }
0xe: {  	v0 =	vld [tilespmem:s25+$0x0];
	_ =	sdelay $0x4  }
0xf: {  	v0 =	vsub.f32 $1.000000000e+00, v0;
	_ =	sdelay $0x1  }
0x10: {  	v1 =	vadd.f32 $1.000000000e-15, v0;
	_ =	sdelay $0x1  }
0x11: {  	v0 =	vand.u32 $0x7FFFFF, v1  }
0x12: {  	v0 =	vor.u32 $0x3F000000, v0  }
0x13: {  	s26 =	simm.s32 $0x10;
	vm1 =	vlt.f32 v0, $7.071067690e-01  }
0x14: {  	v2 =	vld [tilespmem:s26+$0x0];
	v3 =	vnsel vm1, $0x80000000, v0  }
0x15: {  	v0 =	vadd.f32 v0, v3;
	_ =	sdelay $0x1  }
0x16: {  	v6 =	vadd.f32 $-1.000000000e+00, v0;
	_ =	sdelay $0x1  }
0x17: {  	v0 =	vsub.f32 $1.000000000e+00, v2;
	v2 =	vmul.f32 $7.037683580e-02, v6;
	_ =	sdelay $0x1  }
0x18: {  	v3 =	vadd.f32 $1.000000000e-15, v0;
	v0 =	vadd.f32 $-1.151461010e-01, v2;
	_ =	sdelay $0x1  }
0x19: {  	v2 =	vand.u32 $0x7FFFFF, v3;
	v0 =	vmul.f32 v0, v6  }
0x1a: {  	s28 =	simm.s32 $0x20;
	v2 =	vor.u32 $0x3F000000, v2  }
0x1b: {  	v5 =	vld [tilespmem:s28+$0x0];
	vm0 =	vlt.f32 v2, $7.071067690e-01;
	v0 =	vadd.f32 $1.167699840e-01, v0  }
0x1c: {  	v4 =	vnsel vm0, $0x80000000, v2  }
0x1d: {  	v2 =	vadd.f32 v2, v4;
	v0 =	vmul.f32 v0, v6;
	_ =	sdelay $0x1  }
0x1e: {  	v4 =	vadd.f32 $-1.242014100e-01, v0;
	v0 =	vadd.f32 $-1.000000000e+00, v2  }
0x1f: {  	v5 =	vsub.f32 $1.000000000e+00, v5  }
0x20: {  	v1 =	vshra.s32 v1, $0x17;
	v2 =	vmul.f32 v4, v6;
	v4 =	vmul.f32 $7.037683580e-02, v0  }
0x21: {  	v1 =	vadd.s32 $0xFFFFFF82, v1  }
0x22: {  	v5 =	vadd.f32 $1.000000000e-15, v5;
	v1 =	vcvt.s32.f32 v1;
	v4 =	vadd.f32 $-1.151461010e-01, v4  }
0x23: {  	v2 =	vadd.f32 $1.424932330e-01, v2  }
0x24: {  	v8 =	vand.u32 $0x7FFFFF, v5;
	v7 =	vadd.f32 $-1.000000000e+00, v1;
	v4 =	vmul.f32 v4, v0  }
0x25: {  	v8 =	vor.u32 $0x3F000000, v8;
	v2 =	vmul.f32 v2, v6  }
0x26: {  	s29 =	simm.s32 $0x30;
	v7 =	vsel vm1, v7, v1;
	v3 =	vshra.s32 v3, $0x17;
	v4 =	vadd.f32 $1.167699840e-01, v4  }
0x27: {  	v9 =	vld [tilespmem:s29+$0x0];
	vm1 =	vlt.f32 v8, $7.071067690e-01;
	v3 =	vadd.s32 $0xFFFFFF82, v3;
	v2 =	vadd.f32 $-1.666805740e-01, v2  }
0x28: {  	v1 =	vcvt.s32.f32 v3;
	v3 =	vnsel vm1, $0x80000000, v8;
	v4 =	vmul.f32 v4, v0  }
0x29: {  	v5 =	vshra.s32 v5, $0x17;
	v3 =	vadd.f32 v8, v3;
	v2 =	vmul.f32 v2, v6  }
0x2a: {  	v5 =	vadd.s32 $0xFFFFFF82, v5;
	v10 =	vadd.f32 $-1.000000000e+00, v1;
	v8 =	vadd.f32 $-1.242014100e-01, v4  }
0x2b: {  	v5 =	vcvt.s32.f32 v5;
	v11 =	vadd.f32 $2.000071410e-01, v2;
	v4 =	vadd.f32 $-1.000000000e+00, v3  }
0x2c: {  	v9 =	vsub.f32 $1.000000000e+00, v9;
	v2 =	vsel vm0, v10, v1;
	v1 =	vmul.f32 v8, v0  }
0x2d: {  	v10 =	vadd.f32 $-1.000000000e+00, v5;
	v8 =	vmul.f32 v11, v6;
	v11 =	vmul.f32 $7.037683580e-02, v4  }
0x2e: {  	v9 =	vadd.f32 $1.000000000e-15, v9;
	v13 =	vmul.f32 v6, v6  }
0x2f: {  	v12 =	vadd.f32 $1.424932330e-01, v1;
	v1 =	vsel vm1, v10, v5;
	v10 =	vadd.f32 $-1.151461010e-01, v11  }
0x30: {  	v16 =	vmul.f32 $-5.000000000e-01, v13;
	v8 =	vadd.f32 $-2.499999400e-01, v8  }
0x31: {  	s30 =	simm.s32 $0x40;
	v5 =	vshra.s32 v9, $0x17;
	v9 =	vand.u32 $0x7FFFFF, v9;
	v10 =	vmul.f32 v10, v4  }
0x32: {  	v5 =	vadd.s32 $0xFFFFFF82, v5;
	v11 =	vmul.f32 v12, v0;
	v8 =	vmul.f32 v8, v6;
	v12 =	vld [tilespmem:s30+$0x0]  }
0x33: {  	v9 =	vor.u32 $0x3F000000, v9;
	v5 =	vcvt.s32.f32 v5;
	v10 =	vadd.f32 $1.167699840e-01, v10  }
0x34: {  	vm0 =	vlt.f32 v9, $7.071067690e-01;
	v11 =	vadd.f32 $-1.666805740e-01, v11;
	v8 =	vadd.f32 $3.333333130e-01, v8  }
0x35: {  	v15 =	vnsel vm0, $0x80000000, v9;
	v14 =	vadd.f32 $-1.000000000e+00, v5;
	v10 =	vmul.f32 v10, v4  }
0x36: {  	v9 =	vadd.f32 v9, v15;
	v11 =	vmul.f32 v11, v0;
	v8 =	vmul.f32 v8, v6  }
0x37: {  	v3 =	vimm.f32 $0.0e+00;
	v12 =	vsub.f32 $1.000000000e+00, v12;
	v10 =	vadd.f32 $-1.242014100e-01, v10  }
0x38: {  	v13 =	vmul.f32 v8, v13;
	v11 =	vadd.f32 $2.000071410e-01, v11;
	v8 =	vadd.f32 $-1.000000000e+00, v9  }
0x39: {  	v9 =	vmul.f32 $6.931471820e-01, v7;
	v12 =	vadd.f32 $1.000000000e-15, v12;
	v7 =	vmul.f32 v10, v4  }
0x3a: {  	v5 =	vsel vm0, v14, v5;
	v10 =	vmul.f32 v11, v0;
	v16 =	vadd.f32 v16, v13  }
0x3b: {  	v15 =	vmul.f32 $7.037683580e-02, v8;
	v11 =	vshra.s32 v12, $0x17;
	v12 =	vand.u32 $0x7FFFFF, v12  }
0x3c: {  	s31 =	sshll.u32 s1, $0x4;
	v12 =	vor.u32 $0x3F000000, v12;
	v14 =	vadd.f32 $1.424932330e-01, v7;
	v13 =	vadd.f32 $-2.499999400e-01, v10  }
0x3d: {  	s5 =	simm.s32 $0x140;
	s4 =	sadd.s32 s31, s2;
	v15 =	vadd.f32 $-1.151461010e-01, v15;
	v10 =	vadd.f32 v16, v6;
	v6 =	vmovc v4;
	vm0 =	vlt.f32 v12, $7.071067690e-01;
	v7 =	vmovc v0  }
.LBB2_2:
0x3e: {  	v16 =	vmov v0;
	v0 =	vmov v4;
	v4 =	vmov v8  }
0x3f: {  	s6 =	sshra.s32 s5, $0x2;
	p0 =	seq.s32 s5, $0xA40;
	s5 =	sadd.s32 $0x40, s5;
	v8 =	vadd.s32 $0xFFFFFF82, v11;
	v11 =	vmul.f32 v14, v6;
	v13 =	vmul.f32 v13, v7;
	v17 =	vmovc v4  }
0x40: {  	v8 =	vcvt.s32.f32 v8;
	v9 =	vadd.f32 v10, v9;
	v14 =	vld [tilespmem:s6+$0x0];
	v15 =	vmul.f32 v15, v17  }
0x41: {  	v10 =	vadd.f32 $-1.666805740e-01, v11;
	v11 =	vadd.f32 $3.333333130e-01, v13  }
0x42: {  	v3 =	vadd.f32 v9, v3;
	v13 =	vadd.f32 $1.167699840e-01, v15;
	v15 =	vmul.f32 v16, v7  }
0x43: {  	v9 =	vadd.f32 $-1.000000000e+00, v8;
	v10 =	vmul.f32 v10, v6;
	v11 =	vmul.f32 v11, v7  }
0x44: {  	v16 =	vnsel vm0, $0x80000000, v12;
	v13 =	vmul.f32 v13, v17;
	v18 =	vmul.f32 $-5.000000000e-01, v15  }
0x45: {  	v12 =	vadd.f32 v12, v16;
	v11 =	vmul.f32 v11, v15;
	v14 =	vsub.f32 $1.000000000e+00, v14  }
0x46: {  	v15 =	vsel vm0, v9, v8;
	v10 =	vadd.f32 $2.000071410e-01, v10;
	v13 =	vadd.f32 $-1.242014100e-01, v13  }
.Ltmp1:
0x47: {  	v9 =	vmul.f32 $6.931471820e-01, v2;
	v2 =	vmovc v1;
	v1 =	vmovc v5;
	v8 =	vadd.f32 $-1.000000000e+00, v12;
	v14 =	vadd.f32 $1.000000000e-15, v14;
	(pc) =	sbr.rel @!p0 .LBB2_2-.Ltmp1, $4  }
0x48: {  	v5 =	vmovc v15;
	v10 =	vmul.f32 v10, v6;
	v16 =	vadd.f32 v18, v11;
	v13 =	vmul.f32 v13, v17  }
0x49: {  	v15 =	vmul.f32 $7.037683580e-02, v8;
	v11 =	vshra.s32 v14, $0x17;
	v12 =	vand.u32 $0x7FFFFF, v14  }
0x4a: {  	v12 =	vor.u32 $0x3F000000, v12;
	v14 =	vadd.f32 $1.424932330e-01, v13;
	v13 =	vadd.f32 $-2.499999400e-01, v10  }
0x4b: {  	v15 =	vadd.f32 $-1.151461010e-01, v15;
	v10 =	vadd.f32 v16, v7;
	v7 =	vmovc v6;
	v6 =	vmovc v17;
	vm0 =	vlt.f32 v12, $7.071067690e-01  }
0x4c: {  	v16 =	vnsel vm0, $0x80000000, v12  }
0x4d: {  	v12 =	vadd.f32 v12, v16;
	_ =	sdelay $0x1  }
0x4e: {  	v12 =	vadd.f32 $-1.000000000e+00, v12;
	_ =	sdelay $0x1  }
0x4f: {  	v44 =	vmul.f32 $7.037683580e-02, v12;
	_ =	sdelay $0x1  }
0x50: {  	v15 =	vmul.f32 v15, v8;
	v16 =	vadd.f32 $-1.151461010e-01, v44;
	_ =	sdelay $0x1  }
0x51: {  	v15 =	vadd.f32 $1.167699840e-01, v15;
	v16 =	vmul.f32 v16, v12;
	_ =	sdelay $0x1  }
0x52: {  	v15 =	vmul.f32 v15, v8;
	v16 =	vadd.f32 $1.167699840e-01, v16;
	_ =	sdelay $0x1  }
0x53: {  	v15 =	vadd.f32 $-1.242014100e-01, v15;
	v16 =	vmul.f32 v16, v12;
	_ =	sdelay $0x1  }
0x54: {  	v15 =	vmul.f32 v15, v8;
	v16 =	vadd.f32 $-1.242014100e-01, v16  }
0x55: {  	v14 =	vmul.f32 v14, v6  }
0x56: {  	v15 =	vadd.f32 $1.424932330e-01, v15;
	v16 =	vmul.f32 v16, v12  }
0x57: {  	v14 =	vadd.f32 $-1.666805740e-01, v14  }
0x58: {  	v15 =	vmul.f32 v15, v8;
	v16 =	vadd.f32 $1.424932330e-01, v16  }
0x59: {  	v14 =	vmul.f32 v14, v6  }
0x5a: {  	v15 =	vadd.f32 $-1.666805740e-01, v15;
	v16 =	vmul.f32 v16, v12  }
0x5b: {  	v14 =	vadd.f32 $2.000071410e-01, v14  }
0x5c: {  	v15 =	vmul.f32 v15, v8;
	v16 =	vadd.f32 $-1.666805740e-01, v16  }
0x5d: {  	v14 =	vmul.f32 v14, v6  }
0x5e: {  	v13 =	vmul.f32 v13, v7;
	v15 =	vadd.f32 $2.000071410e-01, v15;
	v16 =	vmul.f32 v16, v12  }
0x5f: {  	v0 =	vmul.f32 v0, v7;
	v4 =	vmul.f32 v4, v6;
	v14 =	vadd.f32 $-2.499999400e-01, v14  }
0x60: {  	v13 =	vadd.f32 $3.333333130e-01, v13;
	v15 =	vmul.f32 v15, v8;
	v16 =	vadd.f32 $2.000071410e-01, v16  }
0x61: {  	v11 =	vadd.s32 $0xFFFFFF82, v11;
	v47 =	vmul.f32 v8, v8;
	v14 =	vmul.f32 v14, v6  }
0x62: {  	v13 =	vmul.f32 v13, v7;
	v15 =	vadd.f32 $-2.499999400e-01, v15;
	v16 =	vmul.f32 v16, v12  }
0x63: {  	v2 =	vmul.f32 $6.931471820e-01, v2;
	v11 =	vcvt.s32.f32 v11;
	v14 =	vadd.f32 $3.333333130e-01, v14  }
0x64: {  	v13 =	vmul.f32 v13, v0;
	v15 =	vmul.f32 v15, v8;
	v16 =	vadd.f32 $-2.499999400e-01, v16  }
0x65: {  	v9 =	vadd.f32 v10, v9;
	v0 =	vmul.f32 $-5.000000000e-01, v0;
	v14 =	vmul.f32 v14, v6  }
0x66: {  	v45 =	vmul.f32 $-5.000000000e-01, v4;
	v15 =	vadd.f32 $3.333333130e-01, v15;
	v46 =	vmul.f32 v16, v12  }
0x67: {  	v50 =	vmul.f32 $-5.000000000e-01, v47;
	v0 =	vadd.f32 v0, v13;
	v4 =	vmul.f32 v14, v4  }
0x68: {  	v3 =	vadd.f32 v9, v3;
	v48 =	vmul.f32 v15, v8;
	v49 =	vadd.f32 $3.333333130e-01, v46  }
0x69: {  	v52 =	vmul.f32 v12, v12;
	v0 =	vadd.f32 v0, v7;
	v4 =	vadd.f32 v45, v4  }
0x6a: {  	v51 =	vadd.f32 $-1.000000000e+00, v11;
	v9 =	vmul.f32 v48, v47;
	v7 =	vmul.f32 v49, v12  }
0x6b: {  	v1 =	vmul.f32 $6.931471820e-01, v1;
	v0 =	vadd.f32 v0, v2;
	v53 =	vadd.f32 v4, v6  }
0x6c: {  	v55 =	vmul.f32 $-5.000000000e-01, v52;
	v54 =	vadd.f32 v50, v9;
	v7 =	vmul.f32 v7, v52  }
0x6d: {  	v0 =	vadd.f32 v0, v3;
	v1 =	vadd.f32 v53, v1  }
0x6e: {  	v56 =	vmul.f32 $6.931471820e-01, v5;
	v57 =	vadd.f32 v54, v8;
	v58 =	vadd.f32 v55, v7  }
0x6f: {  	v59 =	vsel vm0, v51, v11;
	v0 =	vadd.f32 v1, v0  }
0x70: {  	v61 =	vmul.f32 $6.931471820e-01, v59;
	v60 =	vadd.f32 v57, v56;
	v62 =	vadd.f32 v58, v12;
	_ =	sdelay $0x1  }
0x71: {  	v0 =	vadd.f32 v60, v0;
	v63 =	vadd.f32 v62, v61;
	_ =	sdelay $0x1  }
0x72: {  	v0 =	vadd.f32 v63, v0;
	_ =	sdelay $0x1  }
0x73: {  	s5 =	simm.s32 $0x4E80;
	[tilespmem:$0x4E80] =	vst v0  }
0x74: {  	[spmem:s4] =	stream.linear.scatter [tilespmem:s5], [sflag:$0x2], $0x10, $0x38;
	[tilespmem:$0x5118] =	vst v63  }
0x75: {  	s4 =	simm.s32 $0x2  }
0x76: {  	_ =	swait.ge [sflag:s4], $0x10  }
0x77: {  	[sflag:s4] =	ssyncset.done $0x0  }
0x78: {  	[sflag:s4] =	ssyncadd.s32 $0xFFFFFFF0  }
0x79: {  	p0 =	sne.s32 s1, $0x0;
	[bflag:$0x0] =	sbarrier.arrive $0xFFFF  }
0x7a: {  	_ =	sfence.sel @p0 $0x180000  }
0x7b: {  	[bflag:$0x0] =	sbarrier.arrive @p0 $0xFFFF  }
0x7c: {  	_ =	strace @p0 $0x90000047  }
0x7d: {  	[bflag:$0x2] =	sbarrier.arrive @p0 $0xFFFF  }
0x7e: {  	_ =	shalt @p0  }
.LBB2_4:
0x7f: {  	s6 =	simm.s32 $0x4F80  }
0x80: {  	[tilespmem:s6], [sflag:$0x2] =	stream.linear.gather [spmem:s2], $0x180, $0x38;
	[tilespmem:$0x5118] =	vst v63  }
0x81: {  	_ =	swait.ge [sflag:s4], $0x180  }
0x82: {  	[sflag:s4] =	ssyncset.done $0x0  }
0x83: {  	[sflag:s4] =	ssyncadd.s32 $0xFFFFFE80  }
0x84: {  	v0 =	vld [tilespmem:$0x4F80];
	_ =	sdelay $0x1  }
0x85: {  	v1 =	vld [tilespmem:$0x4F90];
	_ =	sdelay $0x1  }
0x86: {  	v2 =	vld [tilespmem:$0x4FA0]  }
0x87: {  	v0 =	vadd.f32 $0.0e+00, v0  }
0x88: {  	v3 =	vld [tilespmem:$0x4FB0]  }
0x89: {  	v0 =	vadd.f32 v1, v0  }
0x8a: {  	v47 =	vld [tilespmem:$0x4FC0]  }
0x8b: {  	v0 =	vadd.f32 v2, v0  }
0x8c: {  	v48 =	vld [tilespmem:$0x4FD0]  }
0x8d: {  	v0 =	vadd.f32 v3, v0  }
0x8e: {  	v49 =	vld [tilespmem:$0x4FE0]  }
0x8f: {  	v0 =	vadd.f32 v47, v0  }
0x90: {  	v50 =	vld [tilespmem:$0x4FF0]  }
0x91: {  	v51 =	vld [tilespmem:$0x5000];
	v0 =	vadd.f32 v48, v0  }
0x92: {  	v4 =	vld [tilespmem:$0x5010]  }
0x93: {  	v52 =	vld [tilespmem:$0x5020];
	v0 =	vadd.f32 v49, v0  }
0x94: {  	v5 =	vld [tilespmem:$0x5060]  }
0x95: {  	v53 =	vld [tilespmem:$0x5070];
	v0 =	vadd.f32 v50, v0  }
0x96: {  	v6 =	vld [tilespmem:$0x5080]  }
0x97: {  	v0 =	vadd.f32 v51, v0  }
0x98: {  	v54 =	vld [tilespmem:$0x5030]  }
0x99: {  	(xrf2) =	vadd.scan.msk.f32 $0xffff, v5;
	v0 =	vadd.f32 v4, v0  }
0x9a: {  	v55 =	vld [tilespmem:$0x5040];
	(xrf2) =	vadd.scan.msk.f32 $0xffff, v53  }
0x9b: {  	(xrf2) =	vadd.scan.msk.f32 $0xffff, v6;
	v0 =	vadd.f32 v52, v0  }
0x9c: {  	v56 =	vld [tilespmem:$0x5050]  }
0x9d: {  	v0 =	vadd.f32 v54, v0  }
0x9e: {  	v57 =	vld [tilespmem:$0x5090]  }
0x9f: {  	v0 =	vadd.f32 v55, v0;
	_ =	sdelay $0x1  }
0xa0: {  	v0 =	vadd.f32 v56, v0;
	_ =	sdelay $0x1  }
0xa1: {  	v58, _, _ =	vpop (xrf2);
	v0 =	vadd.f32 v57, v0  }
0xa2: {  	v59, _, _ =	vpop (xrf2)  }
0xa3: {  	v60, _, _ =	vpop (xrf2);
	(xrf2) =	vadd.scan.msk.f32 $0xffff, v0  }
0xa4: {  	v61 =	vbroadcast v60, $0xF;
	_ =	sdelay $0x1  }
0xa5: {  	v3 =	vsub.f32 $9.486000000e+03, v61  }
0xa6: {  	(erf) = vrcp.f32 v61  }
0xa7: {  	(erf) = vrcp.f32 v3;
	_ =	sdelay $0x4  }
0xa8: {  	v62, _, _ =	vpop (xrf2)  }
0xa9: {  	v1 =	vsub.f32 $0.0e+00, v58;
	v0 =	vsub.f32 v62, v59;
	_ =	sdelay $0x1  }
0xaa: {  	v1 =	vbroadcast v1, $0xF;
	v63 =	vpop (erf);
	v0 =	vbroadcast v0, $0xF  }
0xab: {  	v3 =	vpop (erf)  }
0xac: {  	v1 =	vmul.f32 v63, v1;
	v0 =	vmul.f32 v3, v0;
	_ =	sdelay $0x1  }
0xad: {  	v0 =	vsub.f32 v1, v0;
	_ =	sdelay $0x1  }
.Ltmp2:
0xae: {  	s31 =	simm.s32 $0x0;
	[tilespmem:$0x4E80] =	vst v0;
	(pc) =	sbr.rel .LBB2_12-.Ltmp2, $4  }
0xaf: {  	[hbm4b:s3+s31] =	stream.linear.scatter [tilespmem:s5], [sflag:$0x2], $0x1, $0x38;
	[tilespmem:$0x5118] =	vst v63  }
0xb0: {  	_ =	swait.ge [sflag:s4], $0x1  }
0xb1: {  	[sflag:s4] =	ssyncset.done $0x0  }
0xb2: {  	[sflag:s4] =	ssyncadd.s32 $0xFFFFFFFF  }
.LBB2_5:
0xb3: {  	p0 =	sne.s32 s1, $0xE  }
.Ltmp3:
0xb4: {  	_ = 	snop;
	(pc) =	sbr.rel @p0 .LBB2_11-.Ltmp3, $1  }
0xb5: {  	_ =	sdelay $0x3  }
0xb6: {  	v0 =	vimm.f32 $0.0e+00  }
0xb7: {  	s6 =	simm.s32 $0x0;
	s3 =	simm.s32 $0x300;
	[tilespmem:$0x2800] =	vst v0  }
0xb8: {  	[tilespmem:s3], [sflag:$0x1] =	stream.linear.gather [hbm4b:s5+s6], $0x250F, $0x38;
	[tilespmem:$0x5118] =	vst v63  }
0xb9: {  	s25 =	simm.s32 $0x2880;
	s26 =	simm.s32 $0x2  }
0xba: {  	[tilespmem:s25], [sflag:$0x2] =	stream.linear.gather [hbm4b:s4+s6], $0x80, $0x38;
	[tilespmem:$0x5118] =	vst v63  }
0xbb: {  	_ =	swait.ge [sflag:s26], $0x80  }
0xbc: {  	[sflag:s26] =	ssyncset.done $0x0  }
0xbd: {  	[sflag:s26] =	ssyncadd.s32 $0xFFFFFF80  }
0xbe: {  	v2 =	vld [tilespmem:$0x2880];
	_ =	sdelay $0x6  }
0xbf: {  	v1 =	vlaneseq.u32;
	s4 =	simm.s32 $0x2900  }
0xc0: {  	[tilespmem:v2+s4+$0x0] =	vst.idx.msk $0xffff, v1  }
0xc1: {  	v2 =	vld [tilespmem:$0x2890];
	_ =	sdelay $0x6  }
0xc2: {  	v3 =	vor.u32 $0x10, v1  }
0xc3: {  	[tilespmem:v2+s4+$0x0] =	vst.idx.msk $0xffff, v3  }
0xc4: {  	v2 =	vld [tilespmem:$0x28A0];
	_ =	sdelay $0x6  }
0xc5: {  	v3 =	vor.u32 $0x20, v1  }
0xc6: {  	[tilespmem:v2+s4+$0x0] =	vst.idx.msk $0xffff, v3  }
0xc7: {  	v2 =	vld [tilespmem:$0x28B0];
	_ =	sdelay $0x6  }
0xc8: {  	v3 =	vor.u32 $0x30, v1  }
0xc9: {  	[tilespmem:v2+s4+$0x0] =	vst.idx.msk $0xffff, v3  }
0xca: {  	v2 =	vld [tilespmem:$0x28C0];
	_ =	sdelay $0x6  }
0xcb: {  	v3 =	vor.u32 $0x40, v1  }
0xcc: {  	s7 =	simm.s32 $0x1;
	[tilespmem:v2+s4+$0x0] =	vst.idx.msk $0xffff, v3  }
0xcd: {  	_ =	swait.ge [sflag:s7], $0x250F  }
0xce: {  	[sflag:s7] =	ssyncset.done $0x0  }
0xcf: {  	[sflag:s7] =	ssyncadd.s32 $0xFFFFDAF1  }
0xd0: {  	v2 =	vld [tilespmem:s25+$0x0];
	_ =	sdelay $0x7  }
0xd1: {  	v3 =	vld.idx.msk [tilespmem:v2+s3+$0x0], $0xffff;
	_ =	sdelay $0x4  }
0xd2: {  	v4 =	vadd.f32 $1.000000000e-30, v3;
	_ =	sdelay $0x1  }
0xd3: {  	v5 =	vand.u32 $0x7FFFFF, v4  }
0xd4: {  	v5 =	vor.u32 $0x3F000000, v5  }
0xd5: {  	v3 =	vsub.f32 $1.000000000e+00, v3;
	vm0 =	vlt.f32 v5, $7.071067690e-01  }
0xd6: {  	s28 =	simm.s32 $0x2890;
	v6 =	vnsel vm0, $0x80000000, v5  }
0xd7: {  	v3 =	vadd.f32 $1.000000000e-15, v3;
	v5 =	vadd.f32 v5, v6;
	v6 =	vld [tilespmem:s28+$0x0];
	_ =	sdelay $0x1  }
0xd8: {  	v8 =	vand.u32 $0x7FFFFF, v3;
	v7 =	vadd.f32 $-1.000000000e+00, v5  }
0xd9: {  	v8 =	vor.u32 $0x3F000000, v8  }
0xda: {  	v9 =	vld.idx.msk [tilespmem:v2+s4+$0x0], $0xffff;
	vm1 =	vlt.f32 v8, $7.071067690e-01;
	v5 =	vmul.f32 $7.037683580e-02, v7  }
0xdb: {  	v4 =	vshra.s32 v4, $0x17;
	v3 =	vshra.s32 v3, $0x17;
	v10 =	vnsel vm1, $0x80000000, v8  }
0xdc: {  	v3 =	vadd.s32 $0xFFFFFF82, v3;
	v8 =	vadd.f32 v8, v10;
	v5 =	vadd.f32 $-1.151461010e-01, v5  }
0xdd: {  	vm2 =	vgt.s32 v2, $0x0;
	v11 =	vadd.s32 $0xFFFFFF82, v4;
	v2 =	vcvt.s32.f32 v3  }
0xde: {  	v10 =	vor.u32 s6, v1;
	v4 =	vadd.f32 $-1.000000000e+00, v8;
	v5 =	vmul.f32 v5, v7;
	v12 =	vld.idx.msk [tilespmem:v6+s3+$0x0], $0xffff  }
0xdf: {  	vm3 =	veq.s32 v9, v10  }
0xe0: {  	v9 =	vadd.f32 $-1.000000000e+00, v2;
	v3 =	vmul.f32 $7.037683580e-02, v4;
	v5 =	vadd.f32 $1.167699840e-01, v5;
	_ =	sdelay $0x1  }
0xe1: {  	v9 =	vsel vm1, v9, v2;
	v2 =	vadd.f32 $-1.151461010e-01, v3;
	v5 =	vmul.f32 v5, v7  }
0xe2: {  	v10 =	vsub.f32 $1.000000000e+00, v12;
	v3 =	vadd.f32 $1.000000000e-30, v12  }
0xe3: {  	vm2 =	vmand vm2, vm3;
	v5 =	vadd.f32 $-1.242014100e-01, v5  }
0xe4: {  	v2 =	vmul.f32 v2, v4;
	v10 =	vadd.f32 $1.000000000e-15, v10;
	v12 =	vand.u32 $0x7FFFFF, v3  }
0xe5: {  	vm3 =	vgt.s32 v6, $0x0;
	v5 =	vmul.f32 v5, v7;
	v12 =	vor.u32 $0x3F000000, v12  }
0xe6: {  	v2 =	vadd.f32 $1.167699840e-01, v2;
	v13 =	vand.u32 $0x7FFFFF, v10;
	vm4 =	vlt.f32 v12, $7.071067690e-01  }
0xe7: {  	v14 =	vld.idx.msk [tilespmem:v6+s4+$0x0], $0xffff;
	v5 =	vadd.f32 $1.424932330e-01, v5;
	v13 =	vor.u32 $0x3F000000, v13;
	v6 =	vnsel vm4, $0x80000000, v12  }
0xe8: {  	vm0 =	vmmov vm0;
	vm1 =	vlt.f32 v13, $7.071067690e-01;
	v6 =	vadd.f32 v12, v6  }
0xe9: {  	v2 =	vmul.f32 v2, v4;
	v5 =	vmul.f32 v5, v7;
	v15 =	vnsel vm1, $0x80000000, v13  }
0xea: {  	s29 =	simm.s32 $0x10;
	v8 =	vcvt.s32.f32 v11;
	v12 =	vadd.f32 v13, v15;
	v6 =	vadd.f32 $-1.000000000e+00, v6  }
0xeb: {  	v11 =	vor.u32 s29, v1;
	v13 =	vadd.f32 $-1.242014100e-01, v2;
	v5 =	vadd.f32 $-1.666805740e-01, v5  }
0xec: {  	s30 =	simm.s32 $0x28A0;
	vm2 =	vmmov vm2;
	vm5 =	veq.s32 v14, v11;
	v11 =	vmul.f32 $7.037683580e-02, v6  }
0xed: {  	v14 =	vld [tilespmem:s30+$0x0];
	v2 =	vadd.f32 $-1.000000000e+00, v12;
	v12 =	vmul.f32 v13, v4;
	v5 =	vmul.f32 v5, v7  }
0xee: {  	v17 =	vadd.f32 $-1.000000000e+00, v8;
	vm3 =	vmand vm3, vm5;
	v11 =	vadd.f32 $-1.151461010e-01, v11  }
0xef: {  	vm5 =	vmmov vm0;
	v12 =	vadd.f32 $1.424932330e-01, v12;
	v5 =	vadd.f32 $2.000071410e-01, v5  }
0xf0: {  	v3 =	vshra.s32 v3, $0x17;
	v8 =	vsel vm5, v17, v8;
	v11 =	vmul.f32 v11, v6  }
0xf1: {  	v3 =	vadd.s32 $0xFFFFFF82, v3;
	v12 =	vmul.f32 v12, v4;
	v5 =	vmul.f32 v5, v7  }
0xf2: {  	v8 =	vmul.f32 $6.931471820e-01, v8;
	v3 =	vcvt.s32.f32 v3;
	v11 =	vadd.f32 $1.167699840e-01, v11  }
0xf3: {  	v10 =	vshra.s32 v10, $0x17;
	v12 =	vadd.f32 $-1.666805740e-01, v12;
	v5 =	vadd.f32 $-2.499999400e-01, v5  }
0xf4: {  	vm0 =	vmmov vm4;
	vm4 =	vmmov vm2;
	v11 =	vmul.f32 v11, v6  }
0xf5: {  	v10 =	vadd.s32 $0xFFFFFF82, v10;
	v17 =	vld.idx.msk [tilespmem:v14+s3+$0x0], $0xffff;
	v12 =	vmul.f32 v12, v4;
	v5 =	vmul.f32 v5, v7  }
0xf6: {  	v10 =	vcvt.s32.f32 v10;
	v15 =	vmul.f32 v7, v7;
	v19 =	vadd.f32 $-1.242014100e-01, v11  }
0xf7: {  	v13 =	vmul.f32 $7.037683580e-02, v2;
	v12 =	vadd.f32 $2.000071410e-01, v12;
	v5 =	vadd.f32 $3.333333130e-01, v5  }
0xf8: {  	vm2 =	vmmov vm3;
	v11 =	vmul.f32 $6.931471820e-01, v9;
	v9 =	vmul.f32 v19, v6  }
0xf9: {  	v18 =	vadd.f32 $-1.000000000e+00, v10;
	v12 =	vmul.f32 v12, v4;
	v5 =	vmul.f32 v5, v7  }
0xfa: {  	v16 =	vmul.f32 $5.000000000e-01, v15;
	v13 =	vadd.f32 $-1.151461010e-01, v13;
	v19 =	vadd.f32 $1.000000000e-30, v17  }
0xfb: {  	v9 =	vadd.f32 $1.424932330e-01, v9;
	v12 =	vadd.f32 $-2.499999400e-01, v12;
	v15 =	vmul.f32 v5, v15  }
0xfc: {  	v5 =	vsel vm1, v18, v10;
	v10 =	vsel vm4, $0x3F800000, v0;
	v18 =	vsub.f32 $1.000000000e+00, v17  }
0xfd: {  	s31 =	simm.s32 $0x20;
	vm4 =	vgt.s32 v14, $0x0;
	v9 =	vmul.f32 v9, v6;
	v12 =	vmul.f32 v12, v4  }
0xfe: {  	v15 =	vsub.f32 v15, v16;
	v16 =	vor.u32 s31, v1;
	v17 =	vadd.f32 $1.000000000e-15, v18  }
0xff: {  	v18 =	vand.u32 $0x7FFFFF, v19;
	v9 =	vadd.f32 $-1.666805740e-01, v9;
	v12 =	vadd.f32 $3.333333130e-01, v12  }
0x100: {  	v18 =	vor.u32 $0x3F000000, v18;
	v7 =	vadd.f32 v15, v7;
	v15 =	vmul.f32 v4, v4  }
0x101: {  	vm3 =	vlt.f32 v18, $7.071067690e-01;
	v9 =	vmul.f32 v9, v6;
	v12 =	vmul.f32 v12, v4  }
0x102: {  	v22 =	vnsel vm3, $0x80000000, v18;
	v7 =	vadd.f32 v7, v8;
	v8 =	vmul.f32 v13, v2  }
0x103: {  	v20 =	vmul.f32 $5.000000000e-01, v15;
	v13 =	vshra.s32 v19, $0x17;
	v19 =	vand.u32 $0x7FFFFF, v17  }
0x104: {  	v14 =	vld.idx.msk [tilespmem:v14+s4+$0x0], $0xffff;
	v18 =	vadd.f32 v18, v22;
	v19 =	vor.u32 $0x3F000000, v19;
	v8 =	vadd.f32 $1.167699840e-01, v8  }
0x105: {  	v13 =	vadd.s32 $0xFFFFFF82, v13;
	v12 =	vmul.f32 v12, v15;
	vm1 =	vlt.f32 v19, $7.071067690e-01  }
0x106: {  	v22 =	vadd.f32 $2.000071410e-01, v9;
	v21 =	vnsel vm1, $0x80000000, v19;
	v8 =	vmul.f32 v8, v2  }
0x107: {  	v9 =	vcvt.s32.f32 v13;
	v13 =	vadd.f32 $-1.000000000e+00, v18;
	v21 =	vadd.f32 v19, v21  }
0x108: {  	v19 =	vmul.f32 v7, v10;
	v7 =	vsub.f32 v12, v20;
	v8 =	vadd.f32 $-1.242014100e-01, v8  }
0x109: {  	vm5 =	veq.s32 v14, v16;
	v16 =	vimm.f32 $0.0e+00;
	v14 =	vimm.f32 $0.0e+00  }
0x10a: {  	vm4 =	vmand vm4, vm5;
	v23 =	vmul.f32 $7.037683580e-02, v13;
	v15 =	vadd.f32 $-1.000000000e+00, v21  }
0x10b: {  	v12 =	vimm.f32 $0.0e+00;
	v21 =	vmul.f32 v22, v6;
	v20 =	vadd.f32 v7, v4  }
0x10c: {  	s2 =	sadd.s32 $0xE0, s2;
	s5 =	simm.s32 $0x30;
	s6 =	simm.s32 $0x28B0;
	v18 =	vmul.f32 $7.037683580e-02, v15;
	v22 =	vmul.f32 v8, v2;
	v7 =	vmovc v2;
	v4 =	vmovc v15;
	v8 =	vmov v6  }
.LBB2_7:
0x10d: {  	v24 =	vmov v2;
	v2 =	vmov v15  }
0x10e: {  	v15 =	vmovc v6;
	v6 =	vmovc v13;
	v17 =	vshra.s32 v17, $0x17;
	v21 =	vadd.f32 $-2.499999400e-01, v21;
	v16 =	vadd.f32 v10, v16  }
0x10f: {  	p0 =	sne.s32 s5, $0x40;
	vm5 =	vmmov vm0;
	vm0 =	vmmov vm3;
	vm3 =	vmmov vm2;
	s7 =	smov.u32 s5;
	s5 =	sadd.s32 $0x10, s5;
	v13 =	vld [tilespmem:s6+$0x0]  }
0x110: {  	v23 =	vadd.f32 $-1.151461010e-01, v23;
	v17 =	vadd.s32 $0xFFFFFF82, v17;
	v22 =	vadd.f32 $1.424932330e-01, v22  }
0x111: {  	v14 =	vadd.f32 v19, v14;
	v15 =	vmul.f32 v15, v8;
	v21 =	vmul.f32 v21, v8  }
0x112: {  	v11 =	vadd.f32 v20, v11;
	v19 =	vmul.f32 v23, v6;
	v22 =	vmul.f32 v22, v7  }
0x113: {  	vm2 =	vmmov vm4;
	v17 =	vcvt.s32.f32 v17;
	v20 =	vadd.f32 $3.333333130e-01, v21  }
0x114: {  	v21 =	vmul.f32 $5.000000000e-01, v15;
	v19 =	vadd.f32 $1.167699840e-01, v19;
	v22 =	vadd.f32 $-1.666805740e-01, v22  }
0x115: {  	v10 =	vmul.f32 v11, v10;
	v23 =	vadd.f32 $-1.000000000e+00, v3;
	v20 =	vmul.f32 v20, v8  }
0x116: {  	v11 =	vmul.f32 v19, v6;
	v19 =	vadd.f32 $-1.000000000e+00, v17;
	v22 =	vmul.f32 v22, v7  }
0x117: {  	v12 =	vadd.f32 v10, v12;
	v23 =	vsel vm5, v23, v3;
	v15 =	vmul.f32 v20, v15;
	v25 =	vld.idx.msk [tilespmem:v13+s3+$0x0], $0xffff  }
0x118: {  	v3 =	vmovc v9;
	v20 =	vmul.f32 $6.931471820e-01, v23;
	v10 =	vadd.f32 $-1.242014100e-01, v11;
	v22 =	vadd.f32 $2.000071410e-01, v22  }
0x119: {  	v11 =	vmul.f32 $6.931471820e-01, v5;
	v5 =	vsel vm1, v19, v17;
	v9 =	vsub.f32 v15, v21  }
0x11a: {  	v23 =	vor.u32 s7, v1;
	v15 =	vmul.f32 v10, v6;
	v17 =	vmul.f32 v22, v7  }
0x11b: {  	v19 =	vmul.f32 v24, v7;
	v10 =	vsel vm3, $0x3F800000, v0;
	v9 =	vadd.f32 v9, v8;
	v8 =	vmovc v6  }
0x11c: {  	v18 =	vadd.f32 $-1.151461010e-01, v18;
	vm4 =	vgt.s32 v13, $0x0;
	v15 =	vadd.f32 $1.424932330e-01, v15  }
0x11d: {  	v24 =	vmul.f32 $5.000000000e-01, v19;
	v22 =	vadd.f32 $-2.499999400e-01, v17;
	v21 =	vsub.f32 $1.000000000e+00, v25  }
0x11e: {  	v25 =	vadd.f32 $1.000000000e-30, v25;
	v9 =	vadd.f32 v9, v20;
	v15 =	vmul.f32 v15, v8  }
0x11f: {  	v18 =	vmul.f32 v18, v4;
	v20 =	vmul.f32 v22, v7;
	v17 =	vadd.f32 $1.000000000e-15, v21  }
0x120: {  	v21 =	vshra.s32 v25, $0x17;
	v22 =	vand.u32 $0x7FFFFF, v25;
	v15 =	vadd.f32 $-1.666805740e-01, v15  }
0x121: {  	v21 =	vadd.s32 $0xFFFFFF82, v21;
	v20 =	vadd.f32 $3.333333130e-01, v20;
	v25 =	vand.u32 $0x7FFFFF, v17  }
0x122: {  	v18 =	vadd.f32 $1.167699840e-01, v18;
	v22 =	vor.u32 $0x3F000000, v22;
	v25 =	vor.u32 $0x3F000000, v25  }
0x123: {  	vm1 =	vlt.f32 v25, $7.071067690e-01;
	v26 =	vld.idx.msk [tilespmem:v13+s4+$0x0], $0xffff;
	v13 =	vmul.f32 v15, v8;
	v15 =	vmul.f32 v20, v7  }
0x124: {  	v18 =	vmul.f32 v18, v4;
	vm3 =	vlt.f32 v22, $7.071067690e-01;
	v20 =	vnsel vm1, $0x80000000, v25  }
0x125: {  	v27 =	vnsel vm3, $0x80000000, v22;
	v20 =	vadd.f32 v25, v20;
	v25 =	vmul.f32 v15, v19  }
.Ltmp4:
0x126: {  	v22 =	vadd.f32 v22, v27;
	v27 =	vadd.f32 $2.000071410e-01, v13;
	v19 =	vmul.f32 v9, v10;
	(pc) =	sbr.rel @p0 .LBB2_7-.Ltmp4, $4  }
0x127: {  	v9 =	vcvt.s32.f32 v21;
	v15 =	vadd.f32 $-1.000000000e+00, v20;
	v20 =	vsub.f32 v25, v24  }
0x128: {  	v13 =	vadd.f32 $-1.000000000e+00, v22;
	v22 =	vadd.f32 $-1.242014100e-01, v18;
	v21 =	vmul.f32 v27, v8  }
0x129: {  	vm5 =	veq.s32 v26, v23;
	v18 =	vmul.f32 $7.037683580e-02, v15;
	v20 =	vadd.f32 v20, v7;
	v7 =	vmovc v4;
	v4 =	vmovc v15  }
0x12a: {  	s6 =	sadd.s32 $0x10, s6;
	v23 =	vmul.f32 $7.037683580e-02, v13;
	vm4 =	vmand vm4, vm5;
	v22 =	vmul.f32 v22, v7  }
0x12b: {  	_ = 	snop  }
0x12c: {  	v1 =	vshra.s32 v17, $0x17;
	v48 =	vadd.f32 $-1.151461010e-01, v23  }
0x12d: {  	v47 =	vadd.f32 $-2.499999400e-01, v21;
	v16 =	vadd.f32 v10, v16;
	vm6 =	vmmov vm0  }
0x12e: {  	vm0 =	vmmov vm3;
	v22 =	vadd.f32 $1.424932330e-01, v22;
	v21 =	vmul.f32 v48, v13  }
0x12f: {  	vm5 =	vmmov vm2;
	v6 =	vmul.f32 v6, v8;
	v18 =	vadd.f32 $-1.151461010e-01, v18  }
0x130: {  	v14 =	vadd.f32 v19, v14;
	v22 =	vmul.f32 v22, v7;
	v21 =	vadd.f32 $1.167699840e-01, v21  }
0x131: {  	v11 =	vadd.f32 v20, v11;
	v1 =	vadd.s32 $0xFFFFFF82, v1;
	v18 =	vmul.f32 v18, v4  }
0x132: {  	s3 =	simm.s32 $0x0;
	v49 =	vcvt.s32.f32 v1;
	v1 =	vadd.f32 $-1.666805740e-01, v22;
	v50 =	vmul.f32 v21, v13  }
0x133: {  	v56 =	vmul.f32 $6.931471820e-01, v5;
	v2 =	vmul.f32 v2, v7;
	v51 =	vld [tilespmem:s3+$0x27C0];
	v18 =	vadd.f32 $1.167699840e-01, v18  }
0x134: {  	v17 =	vmul.f32 v47, v8;
	v1 =	vmul.f32 v1, v7;
	v20 =	vadd.f32 $-1.242014100e-01, v50  }
0x135: {  	vm3 =	vmmov vm4;
	v10 =	vmul.f32 v11, v10;
	v18 =	vmul.f32 v18, v4  }
0x136: {  	v11 =	vadd.f32 $-1.000000000e+00, v3;
	v1 =	vadd.f32 $2.000071410e-01, v1;
	v20 =	vmul.f32 v20, v13  }
0x137: {  	v52 =	vmul.f32 $5.000000000e-01, v6;
	v17 =	vadd.f32 $3.333333130e-01, v17;
	v18 =	vadd.f32 $-1.242014100e-01, v18  }
0x138: {  	v21 =	vsub.f32 $1.000000000e+00, v51;
	v1 =	vmul.f32 v1, v7;
	v20 =	vadd.f32 $1.424932330e-01, v20  }
0x139: {  	v10 =	vadd.f32 v10, v12;
	v17 =	vmul.f32 v17, v8;
	v12 =	vmul.f32 v18, v4  }
0x13a: {  	v53 =	vadd.f32 $-2.499999400e-01, v1;
	v1 =	vadd.f32 $1.000000000e-15, v21;
	v54 =	vmul.f32 v20, v13  }
0x13b: {  	v3 =	vsel vm6, v11, v3;
	v6 =	vmul.f32 v17, v6;
	v12 =	vadd.f32 $1.424932330e-01, v12  }
0x13c: {  	v17 =	vmul.f32 v53, v7;
	v55 =	vand.u32 $0x7FFFFF, v1;
	v18 =	vadd.f32 $-1.666805740e-01, v54  }
0x13d: {  	v3 =	vmul.f32 $6.931471820e-01, v3;
	v5 =	vmul.f32 v12, v4;
	v12 =	vor.u32 $0x3F000000, v55  }
0x13e: {  	v17 =	vadd.f32 $3.333333130e-01, v17;
	vm2 =	vlt.f32 v12, $7.071067690e-01;
	v18 =	vmul.f32 v18, v13  }
0x13f: {  	v6 =	vsub.f32 v6, v52;
	v5 =	vadd.f32 $-1.666805740e-01, v5;
	v20 =	vnsel vm2, $0x80000000, v12  }
0x140: {  	v17 =	vmul.f32 v17, v7;
	v12 =	vadd.f32 v12, v20;
	v18 =	vadd.f32 $2.000071410e-01, v18  }
0x141: {  	v6 =	vadd.f32 v6, v8;
	v8 =	vmul.f32 $5.000000000e-01, v2;
	v57 =	vmul.f32 v5, v4  }
0x142: {  	v2 =	vmul.f32 v17, v2;
	v5 =	vadd.f32 $-1.000000000e+00, v12;
	v58 =	vmul.f32 v18, v13  }
0x143: {  	v61 =	vmul.f32 v13, v13;
	v3 =	vadd.f32 v6, v3;
	v6 =	vadd.f32 $2.000071410e-01, v57  }
0x144: {  	v2 =	vsub.f32 v2, v8;
	v59 =	vmul.f32 $7.037683580e-02, v5;
	v8 =	vadd.f32 $-2.499999400e-01, v58  }
0x145: {  	v63 =	vadd.f32 $-1.000000000e+00, v9;
	v12 =	vsel vm5, $0x3F800000, v0;
	v6 =	vmul.f32 v6, v4  }
0x146: {  	s30 =	simm.s32 $0x10;
	v2 =	vadd.f32 v2, v7;
	v7 =	vmul.f32 v8, v13;
	v8 =	vadd.f32 $-1.151461010e-01, v59  }
0x147: {  	v60 =	vld [tilespmem:s30+$0x27C0];
	v62 =	vmul.f32 $5.000000000e-01, v61;
	v3 =	vmul.f32 v3, v12;
	v6 =	vadd.f32 $-2.499999400e-01, v6  }
0x148: {  	v11 =	vadd.f32 $-1.000000000e+00, v49;
	v16 =	vadd.f32 v12, v16;
	v8 =	vmul.f32 v8, v5  }
0x149: {  	v3 =	vadd.f32 v3, v14;
	v6 =	vmul.f32 v6, v4;
	v7 =	vadd.f32 $3.333333130e-01, v7  }
0x14a: {  	v11 =	vsel vm1, v11, v49;
	v2 =	vadd.f32 v2, v56;
	v8 =	vadd.f32 $1.167699840e-01, v8  }
0x14b: {  	v14 =	vmul.f32 v15, v4;
	v6 =	vadd.f32 $3.333333130e-01, v6;
	v7 =	vmul.f32 v7, v13  }
0x14c: {  	v2 =	vmul.f32 v2, v12;
	v12 =	vsub.f32 $1.000000000e+00, v60;
	v8 =	vmul.f32 v8, v5  }
0x14d: {  	vm1 =	vmmov vm0;
	v15 =	vmul.f32 v6, v4;
	v7 =	vmul.f32 v7, v61  }
0x14e: {  	v9 =	vsel vm1, v63, v9;
	v6 =	vadd.f32 $1.000000000e-15, v12;
	v8 =	vadd.f32 $-1.242014100e-01, v8  }
0x14f: {  	v12 =	vmul.f32 $5.000000000e-01, v14;
	v14 =	vmul.f32 v15, v14;
	v7 =	vsub.f32 v7, v62  }
0x150: {  	v9 =	vmul.f32 $6.931471820e-01, v9;
	v15 =	vand.u32 $0x7FFFFF, v6;
	v8 =	vmul.f32 v8, v5  }
0x151: {  	v12 =	vsub.f32 v14, v12;
	v7 =	vadd.f32 v7, v13;
	v13 =	vor.u32 $0x3F000000, v15  }
0x152: {  	vm0 =	vmmov vm3;
	vm3 =	vlt.f32 v13, $7.071067690e-01;
	v8 =	vadd.f32 $1.424932330e-01, v8  }
0x153: {  	v4 =	vadd.f32 v12, v4;
	v7 =	vadd.f32 v7, v9;
	v9 =	vnsel vm3, $0x80000000, v13  }
0x154: {  	v12 =	vsel vm0, $0x3F800000, v0;
	v0 =	vadd.f32 v13, v9;
	v8 =	vmul.f32 v8, v5  }
0x155: {  	v11 =	vmul.f32 $6.931471820e-01, v11;
	v10 =	vadd.f32 v2, v10  }
0x156: {  	v2 =	vmul.f32 v7, v12;
	v9 =	vadd.f32 $-1.000000000e+00, v0;
	v7 =	vadd.f32 $-1.666805740e-01, v8  }
0x157: {  	v4 =	vadd.f32 v4, v11  }
0x158: {  	v8 =	vmul.f32 $7.037683580e-02, v9;
	v7 =	vmul.f32 v7, v5  }
0x159: {  	vm0 =	vmmov vm2;
	v2 =	vadd.f32 v2, v3;
	v3 =	vmul.f32 v4, v12  }
0x15a: {  	s31 =	simm.s32 $0x20;
	vm1 =	vmmov vm0  }
0x15b: {  	vm0 =	vmmov vm3;
	v0 =	vadd.f32 v12, v16;
	v12 =	vld [tilespmem:s31+$0x27C0];
	v3 =	vadd.f32 v3, v10  }
0x15c: {  	s3 =	simm.s32 $0xC0;
	v4 =	vimm.f32 $0.0e+00;
	v10 =	vld [tilespmem:$0x300];
	v13 =	vadd.f32 $-1.151461010e-01, v8;
	v11 =	vadd.f32 $2.000071410e-01, v7;
	v8 =	vmovc v5;
	v7 =	vmovc v9  }
.LBB2_9:
0x15d: {  	v14 =	vmov v5;
	v5 =	vmov v9  }
0x15e: {  	p0 =	sne.s32 s3, $0x100  }
0x15f: {  	v9 =	vmul.f32 v13, v7;
	v11 =	vmul.f32 v11, v8  }
0x160: {  	v12 =	vsub.f32 $1.000000000e+00, v12  }
0x161: {  	v9 =	vadd.f32 $1.167699840e-01, v9;
	v11 =	vadd.f32 $-2.499999400e-01, v11;
	_ =	sdelay $0x1  }
0x162: {  	v12 =	vadd.f32 $1.000000000e-15, v12;
	v9 =	vmul.f32 v9, v7;
	v11 =	vmul.f32 v11, v8  }
0x163: {  	v13 =	vshra.s32 v1, $0x17;
	v1 =	vmov v6  }
0x164: {  	v15 =	vand.u32 $0x7FFFFF, v12;
	v9 =	vadd.f32 $-1.242014100e-01, v9;
	v6 =	vmovc v12;
	v11 =	vadd.f32 $3.333333130e-01, v11  }
0x165: {  	v13 =	vadd.s32 $0xFFFFFF82, v13;
	v14 =	vmul.f32 v14, v8;
	v12 =	vor.u32 $0x3F000000, v15  }
0x166: {  	vm2 =	vlt.f32 v12, $7.071067690e-01;
	v9 =	vmul.f32 v9, v7;
	v11 =	vmul.f32 v11, v8  }
0x167: {  	v13 =	vcvt.s32.f32 v13;
	v15 =	vnsel vm2, $0x80000000, v12  }
0x168: {  	v9 =	vadd.f32 $1.424932330e-01, v9;
	v11 =	vmul.f32 v11, v14;
	v14 =	vmul.f32 $-5.000000000e-01, v14  }
0x169: {  	v12 =	vadd.f32 v12, v15;
	v15 =	vadd.f32 $-1.000000000e+00, v13  }
0x16a: {  	v16 =	vmul.f32 v9, v7;
	v11 =	vadd.f32 v14, v11  }
0x16b: {  	v9 =	vadd.f32 $-1.000000000e+00, v12;
	v12 =	vsel vm1, v15, v13;
	vm1 =	vmmov vm0  }
.Ltmp5:
0x16c: {  	v14 =	vmul.f32 $6.931471820e-01, v12;
	v13 =	vadd.f32 $-1.666805740e-01, v16;
	v11 =	vadd.f32 v11, v8;
	v8 =	vmovc v7;
	(pc) =	sbr.rel @p0 .LBB2_9-.Ltmp5, $4  }
0x16d: {  	s4 =	sshra.s32 s3, $0x2;
	vm0 =	vmmov vm2;
	v15 =	vmul.f32 $7.037683580e-02, v9;
	v7 =	vmov v9  }
0x16e: {  	v16 =	vmul.f32 v13, v8;
	v14 =	vadd.f32 v11, v14;
	v12 =	vld [tilespmem:s4+$0x27C0]  }
0x16f: {  	v13 =	vadd.f32 $-1.151461010e-01, v15  }
0x170: {  	s3 =	sadd.s32 $0x40, s3;
	v11 =	vadd.f32 $2.000071410e-01, v16;
	v4 =	vadd.f32 v14, v4  }
0x171: {  	v10 =	vsub.f32 $1.000000000e+00, v10;
	_ =	sdelay $0x1  }
0x172: {  	v10 =	vadd.f32 $1.000000000e-15, v10;
	v12 =	vsub.f32 $1.000000000e+00, v12;
	_ =	sdelay $0x1  }
0x173: {  	v14 =	vand.u32 $0x7FFFFF, v10;
	v12 =	vadd.f32 $1.000000000e-15, v12  }
0x174: {  	v14 =	vor.u32 $0x3F000000, v14  }
0x175: {  	vm2 =	vlt.f32 v14, $7.071067690e-01;
	v15 =	vand.u32 $0x7FFFFF, v12  }
0x176: {  	v16 =	vnsel vm2, $0x80000000, v14;
	v15 =	vor.u32 $0x3F000000, v15  }
0x177: {  	v14 =	vadd.f32 v14, v16;
	vm3 =	vlt.f32 v15, $7.071067690e-01  }
0x178: {  	v13 =	vmul.f32 v13, v7;
	v45 =	vnsel vm3, $0x80000000, v15  }
0x179: {  	v14 =	vadd.f32 $-1.000000000e+00, v14;
	v15 =	vadd.f32 v15, v45  }
0x17a: {  	v13 =	vadd.f32 $1.167699840e-01, v13  }
0x17b: {  	v46 =	vmul.f32 $7.037683580e-02, v14;
	v15 =	vadd.f32 $-1.000000000e+00, v15  }
0x17c: {  	v13 =	vmul.f32 v13, v7  }
0x17d: {  	v16 =	vadd.f32 $-1.151461010e-01, v46;
	v17 =	vmul.f32 $7.037683580e-02, v15  }
0x17e: {  	v13 =	vadd.f32 $-1.242014100e-01, v13  }
0x17f: {  	v16 =	vmul.f32 v16, v14;
	v17 =	vadd.f32 $-1.151461010e-01, v17  }
0x180: {  	v13 =	vmul.f32 v13, v7  }
0x181: {  	v16 =	vadd.f32 $1.167699840e-01, v16;
	v17 =	vmul.f32 v17, v15  }
0x182: {  	v13 =	vadd.f32 $1.424932330e-01, v13  }
0x183: {  	v16 =	vmul.f32 v16, v14;
	v17 =	vadd.f32 $1.167699840e-01, v17  }
0x184: {  	v13 =	vmul.f32 v13, v7  }
0x185: {  	v16 =	vadd.f32 $-1.242014100e-01, v16;
	v17 =	vmul.f32 v17, v15  }
0x186: {  	v13 =	vadd.f32 $-1.666805740e-01, v13  }
0x187: {  	v5 =	vmul.f32 v5, v8;
	v16 =	vmul.f32 v16, v14;
	v17 =	vadd.f32 $-1.242014100e-01, v17  }
0x188: {  	v1 =	vshra.s32 v1, $0x17;
	v11 =	vmul.f32 v11, v8;
	v13 =	vmul.f32 v13, v7  }
0x189: {  	v6 =	vshra.s32 v6, $0x17;
	v16 =	vadd.f32 $1.424932330e-01, v16;
	v17 =	vmul.f32 v17, v15  }
0x18a: {  	v9 =	vmul.f32 v9, v7;
	v11 =	vadd.f32 $-2.499999400e-01, v11;
	v13 =	vadd.f32 $2.000071410e-01, v13  }
0x18b: {  	vm0 =	vmmov vm0;
	v16 =	vmul.f32 v16, v14;
	v17 =	vadd.f32 $1.424932330e-01, v17  }
0x18c: {  	v1 =	vadd.s32 $0xFFFFFF82, v1;
	v11 =	vmul.f32 v11, v8;
	v13 =	vmul.f32 v13, v7  }
0x18d: {  	v6 =	vadd.s32 $0xFFFFFF82, v6;
	v16 =	vadd.f32 $-1.666805740e-01, v16;
	v17 =	vmul.f32 v17, v15  }
0x18e: {  	v1 =	vcvt.s32.f32 v1;
	v11 =	vadd.f32 $3.333333130e-01, v11;
	v13 =	vadd.f32 $-2.499999400e-01, v13  }
0x18f: {  	v6 =	vcvt.s32.f32 v6;
	v16 =	vmul.f32 v16, v14;
	v17 =	vadd.f32 $-1.666805740e-01, v17  }
0x190: {  	v18 =	vadd.f32 $-1.000000000e+00, v1;
	v11 =	vmul.f32 v11, v8;
	v13 =	vmul.f32 v13, v7  }
0x191: {  	v49 =	vadd.f32 $-1.000000000e+00, v6;
	v16 =	vadd.f32 $2.000071410e-01, v16;
	v17 =	vmul.f32 v17, v15  }
0x192: {  	v54 =	vshra.s32 v10, $0x17;
	v11 =	vmul.f32 v11, v5;
	v13 =	vadd.f32 $3.333333130e-01, v13  }
0x193: {  	v5 =	vmul.f32 $-5.000000000e-01, v5;
	v16 =	vmul.f32 v16, v14;
	v47 =	vadd.f32 $2.000071410e-01, v17  }
0x194: {  	v1 =	vsel vm1, v18, v1;
	v51 =	vsel vm0, v49, v6;
	v13 =	vmul.f32 v13, v7  }
0x195: {  	v5 =	vadd.f32 v5, v11;
	v16 =	vadd.f32 $-2.499999400e-01, v16;
	v48 =	vmul.f32 v47, v15  }
0x196: {  	v56 =	vshra.s32 v12, $0x17;
	v13 =	vmul.f32 v13, v9;
	v9 =	vmul.f32 $-5.000000000e-01, v9  }
0x197: {  	v5 =	vadd.f32 v5, v8;
	v50 =	vmul.f32 v16, v14;
	v8 =	vadd.f32 $-2.499999400e-01, v48  }
0x198: {  	v1 =	vmul.f32 $6.931471820e-01, v1;
	v55 =	vmul.f32 v14, v14;
	v9 =	vadd.f32 v9, v13  }
0x199: {  	v11 =	vadd.s32 $0xFFFFFF82, v56;
	v52 =	vadd.f32 $3.333333130e-01, v50;
	v8 =	vmul.f32 v8, v15  }
0x19a: {  	v10 =	vmul.f32 $-5.000000000e-01, v55;
	v57 =	vmul.f32 v15, v15;
	v53 =	vadd.f32 v9, v7  }
0x19b: {  	v9 =	vadd.s32 $0xFFFFFF82, v54;
	v6 =	vmul.f32 v52, v14;
	v8 =	vadd.f32 $3.333333130e-01, v8  }
0x19c: {  	v11 =	vcvt.s32.f32 v11;
	v9 =	vcvt.s32.f32 v9  }
0x19d: {  	vm13 =	vmmov vm3;
	v6 =	vmul.f32 v6, v55;
	v8 =	vmul.f32 v8, v15  }
0x19e: {  	vm14 =	vmmov vm13;
	v59 =	vmul.f32 $-5.000000000e-01, v57;
	v58 =	vadd.f32 $-1.000000000e+00, v9  }
0x19f: {  	v60 =	vadd.f32 $-1.000000000e+00, v11;
	v6 =	vadd.f32 v10, v6;
	v8 =	vmul.f32 v8, v57  }
0x1a0: {  	v1 =	vadd.f32 v5, v1;
	v5 =	vmul.f32 $6.931471820e-01, v51;
	v9 =	vsel vm2, v58, v9  }
0x1a1: {  	v9 =	vmul.f32 $6.931471820e-01, v9;
	v6 =	vadd.f32 v6, v14;
	v61 =	vadd.f32 v59, v8  }
0x1a2: {  	v62 =	vsel vm14, v60, v11;
	v1 =	vadd.f32 v1, v4;
	v5 =	vadd.f32 v53, v5  }
0x1a3: {  	v7 =	vmul.f32 $6.931471820e-01, v62;
	v6 =	vadd.f32 v6, v9;
	v4 =	vadd.f32 v61, v15  }
0x1a4: {  	vm15 =	vmmov $0x1  }
0x1a5: {  	v1 =	vadd.f32 v5, v1;
	v63 =	vnsel vm15, $0x0, v6;
	v4 =	vadd.f32 v4, v7  }
0x1a6: {  	[tilespmem:$0x4F00] =	vst v2;
	v3 =	vadd.f32 v63, v3  }
0x1a7: {  	[tilespmem:$0x4F20] =	vst v0;
	v1 =	vadd.f32 v4, v1  }
0x1a8: {  	[tilespmem:$0x4F10] =	vst v3  }
0x1a9: {  	s3 =	simm.s32 $0x4F00;
	s31 =	simm.s32 $0x2;
	[tilespmem:$0x4F30] =	vst v1  }
0x1aa: {  	[spmem:s2] =	stream.linear.scatter [tilespmem:s3], [sflag:$0x2], $0x40, $0x38;
	[tilespmem:$0x5118] =	vst v63  }
0x1ab: {  	_ =	swait.ge [sflag:s31], $0x40  }
0x1ac: {  	[sflag:s31] =	ssyncset.done $0x0  }
0x1ad: {  	[sflag:s31] =	ssyncadd.s32 $0xFFFFFFC0  }
.LBB2_11:
0x1ae: {  	[bflag:$0x0] =	sbarrier.arrive $0xFFFF  }
.LBB2_12:
0x1af: {  	_ =	sfence.sel $0x180000  }
0x1b0: {  	[bflag:$0x0] =	sbarrier.arrive $0xFFFF  }
0x1b1: {  	p0 =	sne.s32 s1, $0x0;
	_ =	strace $0x90000047  }
0x1b2: {  	s0 =	sadd.s32 @!p0 $0x100000, s0;
	[bflag:$0x2] =	sbarrier.arrive $0xFFFF  }
0x1b3: {  	[sflag:s0] =	ssyncadd.tile.s32 @!p0 $0x1;
	_ =	shalt  }
.Lfunc_end2:
_tile_overlayer_lowered:
.L_overlay_start_2:
0x1b4: {  	(tag) =	ssettag $0x2  }
0x1b5: {  	s0 =	rddreg [dreg:$0x0];
	s2 =	stileid.u32  }
0x1b6: {  	s1 =	rddreg [dreg:$0x1];
	p0 =	sne.s32 s2, $0x0  }
0x1b7: {  	s3 =	rddreg [dreg:$0x2];
	[bflag:$0x3] =	sbarrier.arrive $0xFFFF;
	s2 =	simm.s32 @!p0 $0x1C02  }
0x1b8: {  	[timem:s3], [sflag:s2] =	dma.local @!p0 [hbm:s0], s1  }
0x1b9: {  	s0 =	simm.s32 @!p0 $0x2  }
0x1ba: {  	_ =	swait.ge @!p0 [sflag:s0], s1  }
0x1bb: {  	s1 =	ssub.s32 @!p0 $0x0, s1;
	[sflag:s0] =	ssyncset.done @!p0 $0x0  }
0x1bc: {  	[sflag:s0] =	ssyncadd.s32 @!p0 s1  }
0x1bd: {  	[bflag:$0x3] =	sbarrier.arrive $0xFFFF  }
0x1be: {  	_ =	shalt  }

</sc_bundles>
